<compile_context>
chip_gen: v7x
topology: tpu7x:2x2x1
jax: 0.10.2.dev20260603
libtpu: 0.0.44.dev20260713+nightly
codegen_flags: <defaults>
</compile_context>

<pallas_src>
import functools
import math

import jax
import jax.numpy as jnp
from jax import lax
from jax.experimental import pallas as pl
from jax.experimental.pallas import tpu as pltpu
from jax.experimental.pallas import tpu_sc as plsc

S, D, DFF, E = 2048, 768, 3072, 8
T = 128
NB = 23
M_PAD = NB * T

_SC_CORES = 2
_SC_SUBCORES = 16
_NW = _SC_CORES * _SC_SUBCORES
_ROWS_PER_W = S // _NW


def _shift_down_cumsum(c, n):
  k = 1
  while k < n:
    c = c + jnp.concatenate([jnp.zeros((k,) + c.shape[1:], c.dtype), c[:-k]], axis=0)
    k *= 2
  return c


def _gate_body(x_ref, gw_ref, dst_ref, wt_ref, cnt_ref):
  x = x_ref[...]
  logits = lax.dot_general(x, gw_ref[...], (((1,), (1,)), ((), ())),
                           preferred_element_type=jnp.float32)
  lmax = jnp.max(logits, axis=1, keepdims=True)
  ssum = jnp.sum(jnp.exp(logits - lmax), axis=1, keepdims=True)
  wt_ref[...] = 1.0 / ssum

  iota_e = lax.broadcasted_iota(jnp.int32, (S, E), 1)
  is_max = logits == lmax
  eidx = jnp.min(jnp.where(is_max, iota_e, E), axis=1, keepdims=True)
  onehot = (iota_e == eidx).astype(jnp.float32)

  cum = _shift_down_cumsum(onehot, S)
  counts = cum[S - 1:S, :]
  rank = jnp.sum(cum * onehot, axis=1, keepdims=True) - 1.0

  pc = jnp.floor((counts + (T - 1)) / T) * T
  inc = pc
  k = 1
  while k < E:
    inc = inc + jnp.concatenate([jnp.zeros((1, k), inc.dtype), inc[:, :-k]], axis=1)
    k *= 2
  starts = inc - pc

  dst = jnp.sum(onehot * starts, axis=1, keepdims=True) + rank
  dst_ref[...] = dst.astype(jnp.int32)
  cnt_ref[...] = counts.astype(jnp.int32)


def _gate(x, gate_w):
  return pl.pallas_call(
      _gate_body,
      out_shape=(
          jax.ShapeDtypeStruct((S, 1), jnp.int32),
          jax.ShapeDtypeStruct((S, 1), jnp.float32),
          jax.ShapeDtypeStruct((1, E), jnp.int32),
      ),
  )(x, gate_w)


@functools.cache
def _sc_kernels():
  mesh = plsc.VectorSubcoreMesh(core_axis_name="c", subcore_axis_name="s")
  scratch = [
      pltpu.VMEM((_ROWS_PER_W,), jnp.int32),
      pltpu.VMEM((_ROWS_PER_W, D), jnp.float32),
      pltpu.SemaphoreType.DMA,
  ]

  @functools.partial(
      pl.kernel,
      out_type=jax.ShapeDtypeStruct((M_PAD, D), jnp.float32),
      mesh=mesh,
      scratch_types=scratch,
  )
  def dispatch(x_hbm, idx_hbm, xs_hbm, idx_v, rows_v, sem):
    wid = lax.axis_index("s") * _SC_CORES + lax.axis_index("c")
    base = wid * _ROWS_PER_W
    pltpu.sync_copy(idx_hbm.at[pl.ds(base, _ROWS_PER_W)], idx_v)
    pltpu.sync_copy(x_hbm.at[pl.ds(base, _ROWS_PER_W)], rows_v)
    pltpu.async_copy(rows_v, xs_hbm.at[idx_v], sem).wait()

  @functools.partial(
      pl.kernel,
      out_type=jax.ShapeDtypeStruct((S, D), jnp.float32),
      mesh=mesh,
      scratch_types=scratch,
  )
  def combine_gather(routed_hbm, idx_hbm, out_hbm, idx_v, rows_v, sem):
    wid = lax.axis_index("s") * _SC_CORES + lax.axis_index("c")
    base = wid * _ROWS_PER_W
    pltpu.sync_copy(idx_hbm.at[pl.ds(base, _ROWS_PER_W)], idx_v)
    pltpu.async_copy(routed_hbm.at[idx_v], rows_v, sem).wait()
    pltpu.sync_copy(rows_v, out_hbm.at[pl.ds(base, _ROWS_PER_W)])

  return dispatch, combine_gather


def _gelu(h):
  return 0.5 * h * (1.0 + lax.erf(h * (1.0 / math.sqrt(2.0))))


def _ffn_math(x, w1, b1, w2, b2):
  h = lax.dot_general(x, w1, (((1,), (1,)), ((), ())),
                      preferred_element_type=jnp.float32) + b1
  h = _gelu(h)
  return lax.dot_general(h, w2, (((1,), (1,)), ((), ())),
                         preferred_element_type=jnp.float32) + b2


NS = S // T
NSTEPS = NB + NS

(K_KIND, K_BRR, K_BRS, K_BE, K_RF, K_HN, K_NE, K_SL, K_NSL, K_E0, K_VAL,
 K_BRO) = range(12)


def _merged_body(s, xs_ref, x_ref, w1_any, b1_ref, w2_any, b2_ref,
                 sw1_ref, sb1_ref, sw2_ref, sb2_ref,
                 o_ref, w1buf, w2buf, sems):
  i = pl.program_id(0)
  kind = s[K_KIND, i]
  rf = s[K_RF, i]
  slot = s[K_SL, i]

  @pl.when(i == 0)
  def _():
    e0 = s[K_E0, i]
    pltpu.make_async_copy(w1_any.at[e0], w1buf.at[0], sems.at[0, 0]).start()
    pltpu.make_async_copy(w2_any.at[e0], w2buf.at[0], sems.at[1, 0]).start()

  @pl.when((rf == 1) & (s[K_HN, i] == 1))
  def _():
    ne = s[K_NE, i]
    ns = s[K_NSL, i]
    pltpu.make_async_copy(w1_any.at[ne], w1buf.at[ns], sems.at[0, ns]).start()
    pltpu.make_async_copy(w2_any.at[ne], w2buf.at[ns], sems.at[1, ns]).start()

  @pl.when(rf == 1)
  def _():
    e = s[K_BE, i]
    pltpu.make_async_copy(w1_any.at[e], w1buf.at[slot], sems.at[0, slot]).wait()
    pltpu.make_async_copy(w2_any.at[e], w2buf.at[slot], sems.at[1, slot]).wait()

  valid = s[K_VAL, i]

  @pl.when((kind == 0) & (valid == 1))
  def _():
    o_ref[...] = _ffn_math(xs_ref[...], w1buf[slot], b1_ref[0],
                           w2buf[slot], b2_ref[0])

  @pl.when((kind == 0) & (valid == 0))
  def _():
    o_ref[...] = jnp.zeros((T, D), jnp.float32)

  @pl.when(kind == 1)
  def _():
    o_ref[...] = _ffn_math(x_ref[...], sw1_ref[...], sb1_ref[...],
                           sw2_ref[...], sb2_ref[...])


def _merged_ffn(sched, xs, x, w1, b1, w2, b2, sw1, sb1, sw2, sb2):
  grid_spec = pltpu.PrefetchScalarGridSpec(
      num_scalar_prefetch=1,
      grid=(NSTEPS,),
      in_specs=[
          pl.BlockSpec((T, D), lambda i, s: (s[K_BRR, i], 0)),
          pl.BlockSpec((T, D), lambda i, s: (s[K_BRS, i], 0)),
          pl.BlockSpec(memory_space=pl.ANY),
          pl.BlockSpec((1, 1, DFF), lambda i, s: (s[K_BE, i], 0, 0)),
          pl.BlockSpec(memory_space=pl.ANY),
          pl.BlockSpec((1, 1, D), lambda i, s: (s[K_BE, i], 0, 0)),
          pl.BlockSpec((DFF, D), lambda i, s: (0, 0)),
          pl.BlockSpec((1, DFF), lambda i, s: (0, 0)),
          pl.BlockSpec((D, DFF), lambda i, s: (0, 0)),
          pl.BlockSpec((1, D), lambda i, s: (0, 0)),
      ],
      out_specs=pl.BlockSpec((T, D), lambda i, s: (s[K_BRO, i], 0)),
      scratch_shapes=[
          pltpu.VMEM((2, DFF, D), jnp.float32),
          pltpu.VMEM((2, D, DFF), jnp.float32),
          pltpu.SemaphoreType.DMA((2, 2)),
      ],
  )
  return pl.pallas_call(
      _merged_body,
      grid_spec=grid_spec,
      out_shape=jax.ShapeDtypeStruct((M_PAD + S, D), jnp.float32),
      compiler_params=pltpu.CompilerParams(
          vmem_limit_bytes=100 * 1024 * 1024),
  )(sched, xs, x, w1, b1, w2, b2, sw1, sb1, sw2, sb2)


def _final_body(wt_ref, g_ref, s_ref, o_ref):
  o_ref[...] = wt_ref[...] * g_ref[...] + s_ref[...]


def _final(wt, gathered, shared):
  return pl.pallas_call(
      _final_body,
      out_shape=jax.ShapeDtypeStruct((S, D), jnp.float32),
  )(wt, gathered, shared)


def kernel(hidden_states, gate_w, w1, b1, w2, b2, sw1, sb1, sw2, sb2):
  x = hidden_states.reshape(S, D)
  dst2, wt2, cnt2 = _gate(x, gate_w)
  dst = dst2.reshape(S)
  counts = cnt2.reshape(E)

  i32 = jnp.int32
  pc = ((counts + (T - 1)) // T) * T
  total_padded = jnp.sum(pc)
  starts = jnp.cumsum(pc) - pc
  mb_off = jnp.arange(NB, dtype=i32) * T
  be = jnp.sum((mb_off[:, None] >= starts[None, :]).astype(i32), axis=1) - 1
  be = jnp.clip(be, 0, E - 1).astype(i32)
  valid = (mb_off < total_padded).astype(i32)

  rf = jnp.concatenate([jnp.ones((1,), i32),
                        (be[1:] != be[:-1]).astype(i32)])
  rid = jnp.cumsum(rf) - 1
  nxt_start = jnp.sum((be[None, :] <= be[:, None]).astype(i32), axis=1)
  has_next = (nxt_start < NB).astype(i32)
  next_e = be[jnp.minimum(nxt_start, NB - 1)]

  nruns = rid[-1] + 1
  r_arr = jnp.arange(E, dtype=i32)
  run_starts = jnp.sum((rid[None, :] < r_arr[:, None]).astype(i32), axis=1)
  step_r = jnp.arange(NB, dtype=i32) + 2 * (rid + 1)
  js = jnp.arange(NS, dtype=i32)
  jrun = jnp.minimum(js // 2, E - 1)
  step_s = jnp.where(js < 2 * nruns, js + run_starts[jrun], NB + js)

  steps = jnp.arange(NSTEPS, dtype=i32)
  r_before = jnp.sum((step_r[None, :] <= steps[:, None]).astype(i32), axis=1)
  is_r = jnp.sum((step_r[None, :] == steps[:, None]).astype(i32), axis=1)
  mb_of = jnp.clip(r_before - 1, 0, NB - 1)
  kind = 1 - is_r
  brow_r = mb_of
  brow_s = jnp.clip(
      jnp.sum((step_s[None, :] <= steps[:, None]).astype(i32), axis=1) - 1,
      0, NS - 1)
  be_st = be[mb_of]
  rf_st = rf[mb_of] * is_r
  hn_st = has_next[mb_of] * is_r
  ne_st = next_e[mb_of]
  sl_st = rid[mb_of] % 2
  nsl_st = (rid[mb_of] + 1) % 2
  e0_st = jnp.full((NSTEPS,), be[0], i32)
  val_st = valid[mb_of] * is_r
  bro_st = jnp.where(is_r == 1, mb_of, NB + brow_s)
  sched = jnp.stack([kind, brow_r, brow_s, be_st, rf_st, hn_st, ne_st,
                     sl_st, nsl_st, e0_st, val_st, bro_st])

  dispatch, combine_gather = _sc_kernels()
  xs = dispatch(x, dst)
  ffn_out = _merged_ffn(
      sched, xs, x, w1, b1.reshape(E, 1, DFF), w2, b2.reshape(E, 1, D),
      sw1, sb1.reshape(1, DFF), sw2, sb2.reshape(1, D))
  routed = ffn_out[:M_PAD]
  shared = ffn_out[M_PAD:]
  gathered = combine_gather(routed, dst)
  out = _final(wt2, gathered, shared)
  return out.reshape(hidden_states.shape)

# --- scband reference (transcript-rebuilt; emitter-appended) ---
"""Pipeline reference for scband-mo-eblock-13537736917776 (READ-ONLY COPY).

The authoritative reference and input builder live on the scoring server;
editing this copy changes nothing except your own understanding.
"""

import jax, jax.numpy as jnp
import numpy as np

B, S, D, DFF, E, TOPK = 1, 2048, 768, 3072, 8, 1


def setup_inputs(seed: int = 0) -> dict:
    key = jax.random.key(seed)
    ks = jax.random.split(key, 10)
    hidden_states = jax.random.normal(ks[0], (B, S, D), dtype=jnp.float32)
    gate_w = jax.random.normal(ks[1], (E, D), dtype=jnp.float32) * 0.02
    w1 = jax.random.normal(ks[2], (E, DFF, D), dtype=jnp.float32) * 0.02
    b1 = jnp.zeros((E, DFF), dtype=jnp.float32)
    w2 = jax.random.normal(ks[3], (E, D, DFF), dtype=jnp.float32) * 0.02
    b2 = jnp.zeros((E, D), dtype=jnp.float32)
    sw1 = jax.random.normal(ks[4], (DFF, D), dtype=jnp.float32) * 0.02
    sb1 = jnp.zeros((DFF,), dtype=jnp.float32)
    sw2 = jax.random.normal(ks[5], (D, DFF), dtype=jnp.float32) * 0.02
    sb2 = jnp.zeros((D,), dtype=jnp.float32)
    return {"hidden_states": hidden_states, "gate_w": gate_w, "w1": w1, "b1": b1,
            "w2": w2, "b2": b2, "sw1": sw1, "sb1": sb1, "sw2": sw2, "sb2": sb2}


def _ffn(x, wa, ba, wb, bb):
    h = jax.nn.gelu(x @ wa.T + ba, approximate=False)
    return h @ wb.T + bb


def reference(hidden_states, gate_w, w1, b1, w2, b2, sw1, sb1, sw2, sb2):
    orig_shape = hidden_states.shape
    x = hidden_states.reshape(-1, orig_shape[-1])
    # MoEGate: linear -> softmax -> top_k (norm_topk_prob=False, eval: no aux loss)
    logits = x @ gate_w.T
    scores = jax.nn.softmax(logits, axis=-1)
    topk_weight, topk_idx = jax.lax.top_k(scores, TOPK)
    # routed experts: dense dispatch/combine (mathematically identical to moe_infer)
    y = jnp.zeros_like(x)
    for e in range(E):
        combine_w = jnp.sum(jnp.where(topk_idx == e, topk_weight, 0.0), axis=-1)
        y = y + combine_w[:, None] * _ffn(x, w1[e], b1[e], w2[e], b2[e])
    y = y.reshape(orig_shape)
    # shared experts on the identity path
    shared = _ffn(hidden_states, sw1, sb1, sw2, sb2)
    return y + shared

if __name__ == "__main__":
    import jax
    _d = setup_inputs()
    print(jax.jit(kernel)(*tuple(_d.values())))

</pallas_src>

<mosaic_0001>
#map = affine_map<(d0, d1) -> (0, 0)>
#map1 = affine_map<(d0, d1) -> (0)>
module attributes {stable_mosaic.version = 14 : i64} {
  func.func @dispatch(%arg0: i32, %arg1: i32, %arg2: memref<2048x768xf32, #tpu.memory_space<hbm>>, %arg3: memref<2048xi32, #tpu.memory_space<hbm>>, %arg4: memref<2944x768xf32, #tpu.memory_space<hbm>>, %arg5: memref<64xi32, #tpu.memory_space<vmem>>, %arg6: memref<64x768xf32, #tpu.memory_space<vmem>>, %arg7: memref<!tpu.dma_semaphore, #tpu.memory_space<semaphore_mem>>) attributes {dimension_semantics = [#tpu.dimension_semantics<core_parallel>, #tpu.dimension_semantics<subcore_parallel>], iteration_bounds = array<i64: 2, 16>, scalar_prefetch = 0 : i64, scratch_operands = 3 : i64, tpu.core_type = #tpu.core_type<sc_vector_subcore>, window_params = [{transform_indices = #map}, {transform_indices = #map1}, {transform_indices = #map}]} {
    %mul3A = arith.constant 2 : i32
    %mul3A_0 = arith.muli %arg1, %mul3A : i32
    %add3A = arith.addi %mul3A_0, %arg0 : i32
    %mul3A_1 = arith.constant 64 : i32
    %mul3A_2 = arith.muli %add3A, %mul3A_1 : i32
    "tpu.region"() ({
      %run_scoped3A = tpu.sem_alloc : memref<!tpu.dma_semaphore, #tpu.memory_space<semaphore_mem>>
      %dma_start3A_7 = tpu.memref_slice %arg3[%mul3A_2] : memref<2048xi32, #tpu.memory_space<hbm>> -> memref<64xi32, #tpu.memory_space<hbm>>
      %dma_start3A_8 = tpu.memref_slice %arg3[%mul3A_2] : memref<2048xi32, #tpu.memory_space<hbm>> -> memref<64xi32, #tpu.memory_space<hbm>>
      tpu.enqueue_dma source(%dma_start3A_8 : memref<64xi32, #tpu.memory_space<hbm>>) target(%arg5 : memref<64xi32, #tpu.memory_space<vmem>>) target_semaphore(%run_scoped3A : memref<!tpu.dma_semaphore, #tpu.memory_space<semaphore_mem>>)
      %dma_wait3A_9 = tpu.memref_slice %arg3[%mul3A_2] : memref<2048xi32, #tpu.memory_space<hbm>> -> memref<64xi32, #tpu.memory_space<hbm>>
      %dma_wait3A_10 = tpu.memref_slice %arg3[%mul3A_2] : memref<2048xi32, #tpu.memory_space<hbm>> -> memref<64xi32, #tpu.memory_space<hbm>>
      tpu.wait_dma2 semaphore(%run_scoped3A : memref<!tpu.dma_semaphore, #tpu.memory_space<semaphore_mem>>) src(%dma_wait3A_10 : memref<64xi32, #tpu.memory_space<hbm>>) dst(%arg5 : memref<64xi32, #tpu.memory_space<vmem>>)
      tpu.yield
    }) : () -> ()
    "tpu.region"() ({
      %run_scoped3A = tpu.sem_alloc : memref<!tpu.dma_semaphore, #tpu.memory_space<semaphore_mem>>
      %dma_start3A_7 = arith.constant 0 : i32
      %dma_start3A_8 = tpu.memref_slice %arg2[%mul3A_2, %dma_start3A_7] : memref<2048x768xf32, #tpu.memory_space<hbm>> -> memref<64x768xf32, #tpu.memory_space<hbm>>
      %dma_start3A_9 = arith.constant 0 : i32
      %dma_start3A_10 = tpu.memref_slice %arg2[%mul3A_2, %dma_start3A_9] : memref<2048x768xf32, #tpu.memory_space<hbm>> -> memref<64x768xf32, #tpu.memory_space<hbm>>
      tpu.enqueue_dma source(%dma_start3A_10 : memref<64x768xf32, #tpu.memory_space<hbm>>) target(%arg6 : memref<64x768xf32, #tpu.memory_space<vmem>>) target_semaphore(%run_scoped3A : memref<!tpu.dma_semaphore, #tpu.memory_space<semaphore_mem>>)
      %dma_wait3A_11 = arith.constant 0 : i32
      %dma_wait3A_12 = tpu.memref_slice %arg2[%mul3A_2, %dma_wait3A_11] : memref<2048x768xf32, #tpu.memory_space<hbm>> -> memref<64x768xf32, #tpu.memory_space<hbm>>
      %dma_wait3A_13 = arith.constant 0 : i32
      %dma_wait3A_14 = tpu.memref_slice %arg2[%mul3A_2, %dma_wait3A_13] : memref<2048x768xf32, #tpu.memory_space<hbm>> -> memref<64x768xf32, #tpu.memory_space<hbm>>
      tpu.wait_dma2 semaphore(%run_scoped3A : memref<!tpu.dma_semaphore, #tpu.memory_space<semaphore_mem>>) src(%dma_wait3A_14 : memref<64x768xf32, #tpu.memory_space<hbm>>) dst(%arg6 : memref<64x768xf32, #tpu.memory_space<vmem>>)
      tpu.yield
    }) : () -> ()
    %dma_start3A = arith.constant 0 : i32
    %dma_start3A_3 = arith.constant 0 : i32
    %dma_start3A_4 = tpu.memref_slice %arg4[%dma_start3A, %dma_start3A_3] : memref<2944x768xf32, #tpu.memory_space<hbm>> -> memref<2944x768xf32, #tpu.memory_space<hbm>>
    tpu.enqueue_indirect_dma source(%arg6 : memref<64x768xf32, #tpu.memory_space<vmem>>) target(%dma_start3A_4 : memref<2944x768xf32, #tpu.memory_space<hbm>>) offsets(%arg5 : memref<64xi32, #tpu.memory_space<vmem>>) semaphore(%arg7 : memref<!tpu.dma_semaphore, #tpu.memory_space<semaphore_mem>>)
    %dma_wait3A = arith.constant 0 : i32
    %dma_wait3A_5 = arith.constant 0 : i32
    %dma_wait3A_6 = tpu.memref_slice %arg4[%dma_wait3A, %dma_wait3A_5] : memref<2944x768xf32, #tpu.memory_space<hbm>> -> memref<2944x768xf32, #tpu.memory_space<hbm>>
    tpu.wait_indirect_dma semaphore(%arg7 : memref<!tpu.dma_semaphore, #tpu.memory_space<semaphore_mem>>) src(%arg6 : memref<64x768xf32, #tpu.memory_space<vmem>>) dst(%dma_wait3A_6 : memref<2944x768xf32, #tpu.memory_space<hbm>>)
    return
  }
}

#map = affine_map<(d0, d1) -> (0, 0)>
#map1 = affine_map<(d0, d1) -> (0)>
module attributes {stable_mosaic.version = 14 : i64} {
  func.func @combine_gather(%arg0: i32, %arg1: i32, %arg2: memref<2944x768xf32, #tpu.memory_space<hbm>>, %arg3: memref<2048xi32, #tpu.memory_space<hbm>>, %arg4: memref<2048x768xf32, #tpu.memory_space<hbm>>, %arg5: memref<64xi32, #tpu.memory_space<vmem>>, %arg6: memref<64x768xf32, #tpu.memory_space<vmem>>, %arg7: memref<!tpu.dma_semaphore, #tpu.memory_space<semaphore_mem>>) attributes {dimension_semantics = [#tpu.dimension_semantics<core_parallel>, #tpu.dimension_semantics<subcore_parallel>], iteration_bounds = array<i64: 2, 16>, scalar_prefetch = 0 : i64, scratch_operands = 3 : i64, tpu.core_type = #tpu.core_type<sc_vector_subcore>, window_params = [{transform_indices = #map}, {transform_indices = #map1}, {transform_indices = #map}]} {
    %mul3A = arith.constant 2 : i32
    %mul3A_0 = arith.muli %arg1, %mul3A : i32
    %add3A = arith.addi %mul3A_0, %arg0 : i32
    %mul3A_1 = arith.constant 64 : i32
    %mul3A_2 = arith.muli %add3A, %mul3A_1 : i32
    "tpu.region"() ({
      %run_scoped3A = tpu.sem_alloc : memref<!tpu.dma_semaphore, #tpu.memory_space<semaphore_mem>>
      %dma_start3A_7 = tpu.memref_slice %arg3[%mul3A_2] : memref<2048xi32, #tpu.memory_space<hbm>> -> memref<64xi32, #tpu.memory_space<hbm>>
      %dma_start3A_8 = tpu.memref_slice %arg3[%mul3A_2] : memref<2048xi32, #tpu.memory_space<hbm>> -> memref<64xi32, #tpu.memory_space<hbm>>
      tpu.enqueue_dma source(%dma_start3A_8 : memref<64xi32, #tpu.memory_space<hbm>>) target(%arg5 : memref<64xi32, #tpu.memory_space<vmem>>) target_semaphore(%run_scoped3A : memref<!tpu.dma_semaphore, #tpu.memory_space<semaphore_mem>>)
      %dma_wait3A_9 = tpu.memref_slice %arg3[%mul3A_2] : memref<2048xi32, #tpu.memory_space<hbm>> -> memref<64xi32, #tpu.memory_space<hbm>>
      %dma_wait3A_10 = tpu.memref_slice %arg3[%mul3A_2] : memref<2048xi32, #tpu.memory_space<hbm>> -> memref<64xi32, #tpu.memory_space<hbm>>
      tpu.wait_dma2 semaphore(%run_scoped3A : memref<!tpu.dma_semaphore, #tpu.memory_space<semaphore_mem>>) src(%dma_wait3A_10 : memref<64xi32, #tpu.memory_space<hbm>>) dst(%arg5 : memref<64xi32, #tpu.memory_space<vmem>>)
      tpu.yield
    }) : () -> ()
    %dma_start3A = arith.constant 0 : i32
    %dma_start3A_3 = arith.constant 0 : i32
    %dma_start3A_4 = tpu.memref_slice %arg2[%dma_start3A, %dma_start3A_3] : memref<2944x768xf32, #tpu.memory_space<hbm>> -> memref<2944x768xf32, #tpu.memory_space<hbm>>
    tpu.enqueue_indirect_dma source(%dma_start3A_4 : memref<2944x768xf32, #tpu.memory_space<hbm>>) target(%arg6 : memref<64x768xf32, #tpu.memory_space<vmem>>) offsets(%arg5 : memref<64xi32, #tpu.memory_space<vmem>>) semaphore(%arg7 : memref<!tpu.dma_semaphore, #tpu.memory_space<semaphore_mem>>)
    %dma_wait3A = arith.constant 0 : i32
    %dma_wait3A_5 = arith.constant 0 : i32
    %dma_wait3A_6 = tpu.memref_slice %arg2[%dma_wait3A, %dma_wait3A_5] : memref<2944x768xf32, #tpu.memory_space<hbm>> -> memref<2944x768xf32, #tpu.memory_space<hbm>>
    tpu.wait_indirect_dma semaphore(%arg7 : memref<!tpu.dma_semaphore, #tpu.memory_space<semaphore_mem>>) src(%dma_wait3A_6 : memref<2944x768xf32, #tpu.memory_space<hbm>>) dst(%arg6 : memref<64x768xf32, #tpu.memory_space<vmem>>)
    "tpu.region"() ({
      %run_scoped3A = tpu.sem_alloc : memref<!tpu.dma_semaphore, #tpu.memory_space<semaphore_mem>>
      %dma_start3A_7 = arith.constant 0 : i32
      %dma_start3A_8 = tpu.memref_slice %arg4[%mul3A_2, %dma_start3A_7] : memref<2048x768xf32, #tpu.memory_space<hbm>> -> memref<64x768xf32, #tpu.memory_space<hbm>>
      %dma_start3A_9 = arith.constant 0 : i32
      %dma_start3A_10 = tpu.memref_slice %arg4[%mul3A_2, %dma_start3A_9] : memref<2048x768xf32, #tpu.memory_space<hbm>> -> memref<64x768xf32, #tpu.memory_space<hbm>>
      tpu.enqueue_dma source(%arg6 : memref<64x768xf32, #tpu.memory_space<vmem>>) target(%dma_start3A_10 : memref<64x768xf32, #tpu.memory_space<hbm>>) target_semaphore(%run_scoped3A : memref<!tpu.dma_semaphore, #tpu.memory_space<semaphore_mem>>)
      %dma_wait3A_11 = arith.constant 0 : i32
      %dma_wait3A_12 = tpu.memref_slice %arg4[%mul3A_2, %dma_wait3A_11] : memref<2048x768xf32, #tpu.memory_space<hbm>> -> memref<64x768xf32, #tpu.memory_space<hbm>>
      %dma_wait3A_13 = arith.constant 0 : i32
      %dma_wait3A_14 = tpu.memref_slice %arg4[%mul3A_2, %dma_wait3A_13] : memref<2048x768xf32, #tpu.memory_space<hbm>> -> memref<64x768xf32, #tpu.memory_space<hbm>>
      tpu.wait_dma2 semaphore(%run_scoped3A : memref<!tpu.dma_semaphore, #tpu.memory_space<semaphore_mem>>) src(%arg6 : memref<64x768xf32, #tpu.memory_space<vmem>>) dst(%dma_wait3A_14 : memref<64x768xf32, #tpu.memory_space<hbm>>)
      tpu.yield
    }) : () -> ()
    return
  }
}

module attributes {stable_mosaic.version = 14 : i64} {
  func.func @_gate_body(%arg0: memref<2048x768xf32, #tpu.memory_space<vmem>>, %arg1: memref<8x768xf32, #tpu.memory_space<vmem>>, %arg2: memref<2048x1xi32, #tpu.memory_space<vmem>>, %arg3: memref<2048x1xf32, #tpu.memory_space<vmem>>, %arg4: memref<1x8xi32, #tpu.memory_space<vmem>>) attributes {dimension_semantics = [], scalar_prefetch = 0 : i64, scratch_operands = 0 : i64, tpu.core_type = #tpu.core_type<tc>} {
    %get3A = arith.constant 0 : index
    %get3A_0 = arith.constant 0 : index
    %get3A_1 = vector.load %arg0[%get3A, %get3A_0] : memref<2048x768xf32, #tpu.memory_space<vmem>>, vector<2048x768xf32>
    %get3A_2 = arith.constant 0 : index
    %get3A_3 = arith.constant 0 : index
    %get3A_4 = vector.load %arg1[%get3A_2, %get3A_3] : memref<8x768xf32, #tpu.memory_space<vmem>>, vector<8x768xf32>
    %dot_general3A = arith.constant dense<0.000000e+00> : vector<2048x8xf32>
    %dot_general3A_5 = tpu.matmul %get3A_1, %get3A_4, %dot_general3A {dimension_numbers = #tpu.dot_dimension_numbers<[1], [1], [0], [0], [0, 0, 1, 0], [], []>, transpose_lhs_hint = false} : vector<2048x768xf32>, vector<8x768xf32>, vector<2048x8xf32> -> vector<2048x8xf32>
    %reduce_max3A = arith.constant dense<0xFF800000> : vector<2048xf32>
    %reduce_max3A_6 = vector.multi_reduction <maximumf>, %dot_general3A_5, %reduce_max3A [1] : vector<2048x8xf32> to vector<2048xf32>
    %broadcast_in_dim3A = vector.shape_cast %reduce_max3A_6 : vector<2048xf32> to vector<2048x1xf32>
    %sub3A = vector.broadcast %broadcast_in_dim3A : vector<2048x1xf32> to vector<2048x8xf32>
    %sub3A_7 = arith.subf %dot_general3A_5, %sub3A : vector<2048x8xf32>
    %exp3A = math.exp %sub3A_7 : vector<2048x8xf32>
    %reduce_sum3A = arith.constant dense<0.000000e+00> : vector<2048xf32>
    %reduce_sum3A_8 = vector.multi_reduction <add>, %exp3A, %reduce_sum3A [1] : vector<2048x8xf32> to vector<2048xf32>
    %broadcast_in_dim3A_9 = vector.shape_cast %reduce_sum3A_8 : vector<2048xf32> to vector<2048x1xf32>
    %div3A = arith.constant 1.000000e+00 : f32
    %div3A_10 = vector.broadcast %div3A : f32 to vector<2048x1xf32>
    %div3A_11 = arith.divf %div3A_10, %broadcast_in_dim3A_9 : vector<2048x1xf32>
    %swap3A = arith.constant 0 : index
    %swap3A_12 = arith.constant 0 : index
    %swap3A_13 = vector.load %arg3[%swap3A, %swap3A_12] : memref<2048x1xf32, #tpu.memory_space<vmem>>, vector<2048x1xf32>
    tpu.vector_store %arg3[%swap3A, %swap3A_12], %div3A_11 {strides = array<i32>} : memref<2048x1xf32, #tpu.memory_space<vmem>>, vector<2048x1xf32>,
    %iota3A = tpu.iota {dimensions = array<i32: 1>} : vector<2048x8xi32>
    %eq3A = vector.broadcast %broadcast_in_dim3A : vector<2048x1xf32> to vector<2048x8xf32>
    %eq3A_14 = arith.cmpf oeq, %dot_general3A_5, %eq3A : vector<2048x8xf32>
    %jit3A = arith.constant 8 : i32
    %broadcast_in_dim3A_15 = vector.broadcast %jit3A : i32 to vector<2048x8xi32>
    %select_n3A = arith.select %eq3A_14, %iota3A, %broadcast_in_dim3A_15 : vector<2048x8xi1>, vector<2048x8xi32>
    %reduce_min3A = arith.constant dense<2147483647> : vector<2048xi32>
    %reduce_min3A_16 = vector.multi_reduction <minsi>, %select_n3A, %reduce_min3A [1] : vector<2048x8xi32> to vector<2048xi32>
    %broadcast_in_dim3A_17 = vector.shape_cast %reduce_min3A_16 : vector<2048xi32> to vector<2048x1xi32>
    %eq3A_18 = vector.broadcast %broadcast_in_dim3A_17 : vector<2048x1xi32> to vector<2048x8xi32>
    %eq3A_19 = arith.cmpi eq, %iota3A, %eq3A_18 : vector<2048x8xi32>
    %convert_element_type3A = arith.extui %eq3A_19 : vector<2048x8xi1> to vector<2048x8xi32>
    %convert_element_type3A_20 = arith.sitofp %convert_element_type3A : vector<2048x8xi32> to vector<2048x8xf32>
    %broadcast_in_dim3A_21 = arith.constant 0.000000e+00 : f32
    %broadcast_in_dim3A_22 = vector.broadcast %broadcast_in_dim3A_21 : f32 to vector<1x8xf32>
    %slice3A = vector.extract_strided_slice %convert_element_type3A_20 {offsets = [0, 0], sizes = [2047, 8], strides = [1, 1]} : vector<2048x8xf32> to vector<2047x8xf32>
    %concatenate3A = tpu.concatenate %broadcast_in_dim3A_22, %slice3A in 0 : vector<1x8xf32>, vector<2047x8xf32> -> vector<2048x8xf32>
    %add3A = arith.addf %convert_element_type3A_20, %concatenate3A : vector<2048x8xf32>
    %broadcast_in_dim3A_23 = arith.constant 0.000000e+00 : f32
    %broadcast_in_dim3A_24 = vector.broadcast %broadcast_in_dim3A_23 : f32 to vector<2x8xf32>
    %slice3A_25 = vector.extract_strided_slice %add3A {offsets = [0, 0], sizes = [2046, 8], strides = [1, 1]} : vector<2048x8xf32> to vector<2046x8xf32>
    %concatenate3A_26 = tpu.concatenate %broadcast_in_dim3A_24, %slice3A_25 in 0 : vector<2x8xf32>, vector<2046x8xf32> -> vector<2048x8xf32>
    %add3A_27 = arith.addf %add3A, %concatenate3A_26 : vector<2048x8xf32>
    %broadcast_in_dim3A_28 = arith.constant 0.000000e+00 : f32
    %broadcast_in_dim3A_29 = vector.broadcast %broadcast_in_dim3A_28 : f32 to vector<4x8xf32>
    %slice3A_30 = vector.extract_strided_slice %add3A_27 {offsets = [0, 0], sizes = [2044, 8], strides = [1, 1]} : vector<2048x8xf32> to vector<2044x8xf32>
    %concatenate3A_31 = tpu.concatenate %broadcast_in_dim3A_29, %slice3A_30 in 0 : vector<4x8xf32>, vector<2044x8xf32> -> vector<2048x8xf32>
    %add3A_32 = arith.addf %add3A_27, %concatenate3A_31 : vector<2048x8xf32>
    %broadcast_in_dim3A_33 = arith.constant 0.000000e+00 : f32
    %broadcast_in_dim3A_34 = vector.broadcast %broadcast_in_dim3A_33 : f32 to vector<8x8xf32>
    %slice3A_35 = vector.extract_strided_slice %add3A_32 {offsets = [0, 0], sizes = [2040, 8], strides = [1, 1]} : vector<2048x8xf32> to vector<2040x8xf32>
    %concatenate3A_36 = tpu.concatenate %broadcast_in_dim3A_34, %slice3A_35 in 0 : vector<8x8xf32>, vector<2040x8xf32> -> vector<2048x8xf32>
    %add3A_37 = arith.addf %add3A_32, %concatenate3A_36 : vector<2048x8xf32>
    %broadcast_in_dim3A_38 = arith.constant 0.000000e+00 : f32
    %broadcast_in_dim3A_39 = vector.broadcast %broadcast_in_dim3A_38 : f32 to vector<16x8xf32>
    %slice3A_40 = vector.extract_strided_slice %add3A_37 {offsets = [0, 0], sizes = [2032, 8], strides = [1, 1]} : vector<2048x8xf32> to vector<2032x8xf32>
    %concatenate3A_41 = tpu.concatenate %broadcast_in_dim3A_39, %slice3A_40 in 0 : vector<16x8xf32>, vector<2032x8xf32> -> vector<2048x8xf32>
    %add3A_42 = arith.addf %add3A_37, %concatenate3A_41 : vector<2048x8xf32>
    %broadcast_in_dim3A_43 = arith.constant 0.000000e+00 : f32
    %broadcast_in_dim3A_44 = vector.broadcast %broadcast_in_dim3A_43 : f32 to vector<32x8xf32>
    %slice3A_45 = vector.extract_strided_slice %add3A_42 {offsets = [0, 0], sizes = [2016, 8], strides = [1, 1]} : vector<2048x8xf32> to vector<2016x8xf32>
    %concatenate3A_46 = tpu.concatenate %broadcast_in_dim3A_44, %slice3A_45 in 0 : vector<32x8xf32>, vector<2016x8xf32> -> vector<2048x8xf32>
    %add3A_47 = arith.addf %add3A_42, %concatenate3A_46 : vector<2048x8xf32>
    %broadcast_in_dim3A_48 = arith.constant 0.000000e+00 : f32
    %broadcast_in_dim3A_49 = vector.broadcast %broadcast_in_dim3A_48 : f32 to vector<64x8xf32>
    %slice3A_50 = vector.extract_strided_slice %add3A_47 {offsets = [0, 0], sizes = [1984, 8], strides = [1, 1]} : vector<2048x8xf32> to vector<1984x8xf32>
    %concatenate3A_51 = tpu.concatenate %broadcast_in_dim3A_49, %slice3A_50 in 0 : vector<64x8xf32>, vector<1984x8xf32> -> vector<2048x8xf32>
    %add3A_52 = arith.addf %add3A_47, %concatenate3A_51 : vector<2048x8xf32>
    %broadcast_in_dim3A_53 = arith.constant 0.000000e+00 : f32
    %broadcast_in_dim3A_54 = vector.broadcast %broadcast_in_dim3A_53 : f32 to vector<128x8xf32>
    %slice3A_55 = vector.extract_strided_slice %add3A_52 {offsets = [0, 0], sizes = [1920, 8], strides = [1, 1]} : vector<2048x8xf32> to vector<1920x8xf32>
    %concatenate3A_56 = tpu.concatenate %broadcast_in_dim3A_54, %slice3A_55 in 0 : vector<128x8xf32>, vector<1920x8xf32> -> vector<2048x8xf32>
    %add3A_57 = arith.addf %add3A_52, %concatenate3A_56 : vector<2048x8xf32>
    %broadcast_in_dim3A_58 = arith.constant 0.000000e+00 : f32
    %broadcast_in_dim3A_59 = vector.broadcast %broadcast_in_dim3A_58 : f32 to vector<256x8xf32>
    %slice3A_60 = vector.extract_strided_slice %add3A_57 {offsets = [0, 0], sizes = [1792, 8], strides = [1, 1]} : vector<2048x8xf32> to vector<1792x8xf32>
    %concatenate3A_61 = tpu.concatenate %broadcast_in_dim3A_59, %slice3A_60 in 0 : vector<256x8xf32>, vector<1792x8xf32> -> vector<2048x8xf32>
    %add3A_62 = arith.addf %add3A_57, %concatenate3A_61 : vector<2048x8xf32>
    %broadcast_in_dim3A_63 = arith.constant 0.000000e+00 : f32
    %broadcast_in_dim3A_64 = vector.broadcast %broadcast_in_dim3A_63 : f32 to vector<512x8xf32>
    %slice3A_65 = vector.extract_strided_slice %add3A_62 {offsets = [0, 0], sizes = [1536, 8], strides = [1, 1]} : vector<2048x8xf32> to vector<1536x8xf32>
    %concatenate3A_66 = tpu.concatenate %broadcast_in_dim3A_64, %slice3A_65 in 0 : vector<512x8xf32>, vector<1536x8xf32> -> vector<2048x8xf32>
    %add3A_67 = arith.addf %add3A_62, %concatenate3A_66 : vector<2048x8xf32>
    %broadcast_in_dim3A_68 = arith.constant 0.000000e+00 : f32
    %broadcast_in_dim3A_69 = vector.broadcast %broadcast_in_dim3A_68 : f32 to vector<1024x8xf32>
    %slice3A_70 = vector.extract_strided_slice %add3A_67 {offsets = [0, 0], sizes = [1024, 8], strides = [1, 1]} : vector<2048x8xf32> to vector<1024x8xf32>
    %concatenate3A_71 = tpu.concatenate %broadcast_in_dim3A_69, %slice3A_70 in 0 : vector<1024x8xf32>, vector<1024x8xf32> -> vector<2048x8xf32>
    %add3A_72 = arith.addf %add3A_67, %concatenate3A_71 : vector<2048x8xf32>
    %slice3A_73 = vector.extract_strided_slice %add3A_72 {offsets = [2047, 0], sizes = [1, 8], strides = [1, 1]} : vector<2048x8xf32> to vector<1x8xf32>
    %mul3A = arith.mulf %add3A_72, %convert_element_type3A_20 : vector<2048x8xf32>
    %reduce_sum3A_74 = arith.constant dense<0.000000e+00> : vector<2048xf32>
    %reduce_sum3A_75 = vector.multi_reduction <add>, %mul3A, %reduce_sum3A_74 [1] : vector<2048x8xf32> to vector<2048xf32>
    %broadcast_in_dim3A_76 = vector.shape_cast %reduce_sum3A_75 : vector<2048xf32> to vector<2048x1xf32>
    %sub3A_77 = arith.constant 1.000000e+00 : f32
    %sub3A_78 = vector.broadcast %sub3A_77 : f32 to vector<2048x1xf32>
    %sub3A_79 = arith.subf %broadcast_in_dim3A_76, %sub3A_78 : vector<2048x1xf32>
    %add3A_80 = arith.constant 1.270000e+02 : f32
    %add3A_81 = vector.broadcast %add3A_80 : f32 to vector<1x8xf32>
    %add3A_82 = arith.addf %slice3A_73, %add3A_81 : vector<1x8xf32>
    %div3A_83 = arith.constant 1.280000e+02 : f32
    %div3A_84 = vector.broadcast %div3A_83 : f32 to vector<1x8xf32>
    %div3A_85 = arith.divf %add3A_82, %div3A_84 : vector<1x8xf32>
    %floor3A = math.floor %div3A_85 : vector<1x8xf32>
    %mul3A_86 = arith.constant 1.280000e+02 : f32
    %mul3A_87 = vector.broadcast %mul3A_86 : f32 to vector<1x8xf32>
    %mul3A_88 = arith.mulf %floor3A, %mul3A_87 : vector<1x8xf32>
    %broadcast_in_dim3A_89 = arith.constant 0.000000e+00 : f32
    %broadcast_in_dim3A_90 = vector.broadcast %broadcast_in_dim3A_89 : f32 to vector<1x1xf32>
    %slice3A_91 = vector.extract_strided_slice %mul3A_88 {offsets = [0, 0], sizes = [1, 7], strides = [1, 1]} : vector<1x8xf32> to vector<1x7xf32>
    %concatenate3A_92 = tpu.concatenate %broadcast_in_dim3A_90, %slice3A_91 in 1 : vector<1x1xf32>, vector<1x7xf32> -> vector<1x8xf32>
    %add3A_93 = arith.addf %mul3A_88, %concatenate3A_92 : vector<1x8xf32>
    %broadcast_in_dim3A_94 = arith.constant 0.000000e+00 : f32
    %broadcast_in_dim3A_95 = vector.broadcast %broadcast_in_dim3A_94 : f32 to vector<1x2xf32>
    %slice3A_96 = vector.extract_strided_slice %add3A_93 {offsets = [0, 0], sizes = [1, 6], strides = [1, 1]} : vector<1x8xf32> to vector<1x6xf32>
    %concatenate3A_97 = tpu.concatenate %broadcast_in_dim3A_95, %slice3A_96 in 1 : vector<1x2xf32>, vector<1x6xf32> -> vector<1x8xf32>
    %add3A_98 = arith.addf %add3A_93, %concatenate3A_97 : vector<1x8xf32>
    %broadcast_in_dim3A_99 = arith.constant 0.000000e+00 : f32
    %broadcast_in_dim3A_100 = vector.broadcast %broadcast_in_dim3A_99 : f32 to vector<1x4xf32>
    %slice3A_101 = vector.extract_strided_slice %add3A_98 {offsets = [0, 0], sizes = [1, 4], strides = [1, 1]} : vector<1x8xf32> to vector<1x4xf32>
    %concatenate3A_102 = tpu.concatenate %broadcast_in_dim3A_100, %slice3A_101 in 1 : vector<1x4xf32>, vector<1x4xf32> -> vector<1x8xf32>
    %add3A_103 = arith.addf %add3A_98, %concatenate3A_102 : vector<1x8xf32>
    %sub3A_104 = arith.subf %add3A_103, %mul3A_88 : vector<1x8xf32>
    %mul3A_105 = vector.broadcast %sub3A_104 : vector<1x8xf32> to vector<2048x8xf32>
    %mul3A_106 = arith.mulf %convert_element_type3A_20, %mul3A_105 : vector<2048x8xf32>
    %reduce_sum3A_107 = arith.constant dense<0.000000e+00> : vector<2048xf32>
    %reduce_sum3A_108 = vector.multi_reduction <add>, %mul3A_106, %reduce_sum3A_107 [1] : vector<2048x8xf32> to vector<2048xf32>
    %broadcast_in_dim3A_109 = vector.shape_cast %reduce_sum3A_108 : vector<2048xf32> to vector<2048x1xf32>
    %add3A_110 = arith.addf %broadcast_in_dim3A_109, %sub3A_79 : vector<2048x1xf32>
    %convert_element_type3A_111 = arith.fptosi %add3A_110 : vector<2048x1xf32> to vector<2048x1xi32>
    %swap3A_112 = arith.constant 0 : index
    %swap3A_113 = arith.constant 0 : index
    %swap3A_114 = vector.load %arg2[%swap3A_112, %swap3A_113] : memref<2048x1xi32, #tpu.memory_space<vmem>>, vector<2048x1xi32>
    tpu.vector_store %arg2[%swap3A_112, %swap3A_113], %convert_element_type3A_111 {strides = array<i32>} : memref<2048x1xi32, #tpu.memory_space<vmem>>, vector<2048x1xi32>,
    %convert_element_type3A_115 = arith.fptosi %slice3A_73 : vector<1x8xf32> to vector<1x8xi32>
    %swap3A_116 = arith.constant 0 : index
    %swap3A_117 = arith.constant 0 : index
    %swap3A_118 = vector.load %arg4[%swap3A_116, %swap3A_117] : memref<1x8xi32, #tpu.memory_space<vmem>>, vector<1x8xi32>
    tpu.vector_store %arg4[%swap3A_116, %swap3A_117], %convert_element_type3A_115 {strides = array<i32>} : memref<1x8xi32, #tpu.memory_space<vmem>>, vector<1x8xi32>,
    return
  }
}

module attributes {stable_mosaic.version = 14 : i64} {
  func.func @_merged_body(%arg0: i32, %arg1: memref<12x39xi32, #tpu.memory_space<smem>>, %arg2: memref<128x768xf32, #tpu.memory_space<vmem>>, %arg3: memref<128x768xf32, #tpu.memory_space<vmem>>, %arg4: memref<8x3072x768xf32, #tpu.memory_space<any>>, %arg5: memref<1x1x3072xf32, #tpu.memory_space<vmem>>, %arg6: memref<8x768x3072xf32, #tpu.memory_space<any>>, %arg7: memref<1x1x768xf32, #tpu.memory_space<vmem>>, %arg8: memref<3072x768xf32, #tpu.memory_space<vmem>>, %arg9: memref<1x3072xf32, #tpu.memory_space<vmem>>, %arg10: memref<768x3072xf32, #tpu.memory_space<vmem>>, %arg11: memref<1x768xf32, #tpu.memory_space<vmem>>, %arg12: memref<128x768xf32, #tpu.memory_space<vmem>>, %arg13: memref<2x3072x768xf32, #tpu.memory_space<vmem>>, %arg14: memref<2x768x3072xf32, #tpu.memory_space<vmem>>, %arg15: memref<2x2x!tpu.dma_semaphore, #tpu.memory_space<semaphore_mem>>) attributes {dimension_semantics = [#tpu.dimension_semantics<arbitrary>], iteration_bounds = array<i64: 39>, scalar_prefetch = 1 : i64, scratch_operands = 3 : i64, tpu.core_type = #tpu.core_type<tc>, window_params = [{transform_indices = @transform_0, window_bounds = array<i64: 128, 768>}, {transform_indices = @transform_1, window_bounds = array<i64: 128, 768>}, {}, {transform_indices = @transform_3, window_bounds = array<i64: 1, 1, 3072>}, {}, {transform_indices = @transform_5, window_bounds = array<i64: 1, 1, 768>}, {pipeline_mode = #tpu.pipeline_mode<synchronous>, transform_indices = @transform_6, window_bounds = array<i64: 3072, 768>}, {pipeline_mode = #tpu.pipeline_mode<synchronous>, transform_indices = @transform_7, window_bounds = array<i64: 1, 3072>}, {pipeline_mode = #tpu.pipeline_mode<synchronous>, transform_indices = @transform_8, window_bounds = array<i64: 768, 3072>}, {pipeline_mode = #tpu.pipeline_mode<synchronous>, transform_indices = @transform_9, window_bounds = array<i64: 1, 768>}, {transform_indices = @transform_10, window_bounds = array<i64: 128, 768>}]} {
    %get3A = arith.constant 0 : index
    %get3A_0 = arith.index_cast %arg0 : i32 to index
    %get3A_1 = memref.load %arg1[%get3A, %get3A_0] : memref<12x39xi32, #tpu.memory_space<smem>>
    %get3A_2 = arith.constant 4 : index
    %get3A_3 = arith.index_cast %arg0 : i32 to index
    %get3A_4 = memref.load %arg1[%get3A_2, %get3A_3] : memref<12x39xi32, #tpu.memory_space<smem>>
    %get3A_5 = arith.constant 7 : index
    %get3A_6 = arith.index_cast %arg0 : i32 to index
    %get3A_7 = memref.load %arg1[%get3A_5, %get3A_6] : memref<12x39xi32, #tpu.memory_space<smem>>
    %eq3A = arith.constant 0 : i32
    %eq3A_8 = arith.cmpi eq, %arg0, %eq3A : i32
    %convert_element_type3A = arith.extui %eq3A_8 : i1 to i32
    %cond3A = arith.constant 0 : i32
    %cond3A_9 = arith.cmpi ne, %convert_element_type3A, %cond3A : i32
    scf.if %cond3A_9 {
      %get3A_49 = arith.constant 9 : index
      %get3A_50 = arith.index_cast %arg0 : i32 to index
      %get3A_51 = memref.load %arg1[%get3A_49, %get3A_50] : memref<12x39xi32, #tpu.memory_space<smem>>
      %dma_start3A = arith.constant 0 : i32
      %dma_start3A_52 = arith.constant 0 : i32
      %dma_start3A_53 = arith.constant 0 : i32
      %dma_start3A_54 = tpu.memref_slice %arg15[%dma_start3A_52, %dma_start3A_53] : memref<2x2x!tpu.dma_semaphore, #tpu.memory_space<semaphore_mem>> -> memref<1x1x!tpu.dma_semaphore, #tpu.memory_space<semaphore_mem>>
      %dma_start3A_55 = tpu.memref_squeeze %dma_start3A_54 : memref<1x1x!tpu.dma_semaphore, #tpu.memory_space<semaphore_mem>> -> memref<!tpu.dma_semaphore, #tpu.memory_space<semaphore_mem>>
      %dma_start3A_56 = arith.constant 0 : i32
      %dma_start3A_57 = arith.constant 0 : i32
      %dma_start3A_58 = tpu.memref_slice %arg13[%dma_start3A, %dma_start3A_56, %dma_start3A_57] : memref<2x3072x768xf32, #tpu.memory_space<vmem>> -> memref<1x3072x768xf32, #tpu.memory_space<vmem>>
      %dma_start3A_59 = tpu.memref_squeeze %dma_start3A_58 : memref<1x3072x768xf32, #tpu.memory_space<vmem>> -> memref<3072x768xf32, #tpu.memory_space<vmem>>
      %dma_start3A_60 = arith.constant 0 : i32
      %dma_start3A_61 = arith.constant 0 : i32
      %dma_start3A_62 = tpu.memref_slice %arg4[%get3A_51, %dma_start3A_60, %dma_start3A_61] : memref<8x3072x768xf32, #tpu.memory_space<any>> -> memref<1x3072x768xf32, #tpu.memory_space<any>>
      %dma_start3A_63 = tpu.memref_squeeze %dma_start3A_62 : memref<1x3072x768xf32, #tpu.memory_space<any>> -> memref<3072x768xf32, #tpu.memory_space<any>>
      tpu.enqueue_dma source(%dma_start3A_63 : memref<3072x768xf32, #tpu.memory_space<any>>) target(%dma_start3A_59 : memref<3072x768xf32, #tpu.memory_space<vmem>>) target_semaphore(%dma_start3A_55 : memref<!tpu.dma_semaphore, #tpu.memory_space<semaphore_mem>>)
      %dma_start3A_64 = arith.constant 0 : i32
      %dma_start3A_65 = arith.constant 1 : i32
      %dma_start3A_66 = arith.constant 0 : i32
      %dma_start3A_67 = tpu.memref_slice %arg15[%dma_start3A_65, %dma_start3A_66] : memref<2x2x!tpu.dma_semaphore, #tpu.memory_space<semaphore_mem>> -> memref<1x1x!tpu.dma_semaphore, #tpu.memory_space<semaphore_mem>>
      %dma_start3A_68 = tpu.memref_squeeze %dma_start3A_67 : memref<1x1x!tpu.dma_semaphore, #tpu.memory_space<semaphore_mem>> -> memref<!tpu.dma_semaphore, #tpu.memory_space<semaphore_mem>>
      %dma_start3A_69 = arith.constant 0 : i32
      %dma_start3A_70 = arith.constant 0 : i32
      %dma_start3A_71 = tpu.memref_slice %arg14[%dma_start3A_64, %dma_start3A_69, %dma_start3A_70] : memref<2x768x3072xf32, #tpu.memory_space<vmem>> -> memref<1x768x3072xf32, #tpu.memory_space<vmem>>
      %dma_start3A_72 = tpu.memref_squeeze %dma_start3A_71 : memref<1x768x3072xf32, #tpu.memory_space<vmem>> -> memref<768x3072xf32, #tpu.memory_space<vmem>>
      %dma_start3A_73 = arith.constant 0 : i32
      %dma_start3A_74 = arith.constant 0 : i32
      %dma_start3A_75 = tpu.memref_slice %arg6[%get3A_51, %dma_start3A_73, %dma_start3A_74] : memref<8x768x3072xf32, #tpu.memory_space<any>> -> memref<1x768x3072xf32, #tpu.memory_space<any>>
      %dma_start3A_76 = tpu.memref_squeeze %dma_start3A_75 : memref<1x768x3072xf32, #tpu.memory_space<any>> -> memref<768x3072xf32, #tpu.memory_space<any>>
      tpu.enqueue_dma source(%dma_start3A_76 : memref<768x3072xf32, #tpu.memory_space<any>>) target(%dma_start3A_72 : memref<768x3072xf32, #tpu.memory_space<vmem>>) target_semaphore(%dma_start3A_68 : memref<!tpu.dma_semaphore, #tpu.memory_space<semaphore_mem>>)
    } else {
    }
    %eq3A_10 = arith.constant 1 : i32
    %eq3A_11 = arith.cmpi eq, %get3A_4, %eq3A_10 : i32
    %get3A_12 = arith.constant 5 : index
    %get3A_13 = arith.index_cast %arg0 : i32 to index
    %get3A_14 = memref.load %arg1[%get3A_12, %get3A_13] : memref<12x39xi32, #tpu.memory_space<smem>>
    %eq3A_15 = arith.constant 1 : i32
    %eq3A_16 = arith.cmpi eq, %get3A_14, %eq3A_15 : i32
    %and3A = arith.andi %eq3A_11, %eq3A_16 : i1
    %convert_element_type3A_17 = arith.extui %and3A : i1 to i32
    %cond3A_18 = arith.constant 0 : i32
    %cond3A_19 = arith.cmpi ne, %convert_element_type3A_17, %cond3A_18 : i32
    scf.if %cond3A_19 {
      %get3A_49 = arith.constant 6 : index
      %get3A_50 = arith.index_cast %arg0 : i32 to index
      %get3A_51 = memref.load %arg1[%get3A_49, %get3A_50] : memref<12x39xi32, #tpu.memory_space<smem>>
      %get3A_52 = arith.constant 8 : index
      %get3A_53 = arith.index_cast %arg0 : i32 to index
      %get3A_54 = memref.load %arg1[%get3A_52, %get3A_53] : memref<12x39xi32, #tpu.memory_space<smem>>
      %dma_start3A = arith.constant 0 : i32
      %dma_start3A_55 = tpu.memref_slice %arg15[%dma_start3A, %get3A_54] : memref<2x2x!tpu.dma_semaphore, #tpu.memory_space<semaphore_mem>> -> memref<1x1x!tpu.dma_semaphore, #tpu.memory_space<semaphore_mem>>
      %dma_start3A_56 = tpu.memref_squeeze %dma_start3A_55 : memref<1x1x!tpu.dma_semaphore, #tpu.memory_space<semaphore_mem>> -> memref<!tpu.dma_semaphore, #tpu.memory_space<semaphore_mem>>
      %dma_start3A_57 = arith.constant 0 : i32
      %dma_start3A_58 = arith.constant 0 : i32
      %dma_start3A_59 = tpu.memref_slice %arg13[%get3A_54, %dma_start3A_57, %dma_start3A_58] : memref<2x3072x768xf32, #tpu.memory_space<vmem>> -> memref<1x3072x768xf32, #tpu.memory_space<vmem>>
      %dma_start3A_60 = tpu.memref_squeeze %dma_start3A_59 : memref<1x3072x768xf32, #tpu.memory_space<vmem>> -> memref<3072x768xf32, #tpu.memory_space<vmem>>
      %dma_start3A_61 = arith.constant 0 : i32
      %dma_start3A_62 = arith.constant 0 : i32
      %dma_start3A_63 = tpu.memref_slice %arg4[%get3A_51, %dma_start3A_61, %dma_start3A_62] : memref<8x3072x768xf32, #tpu.memory_space<any>> -> memref<1x3072x768xf32, #tpu.memory_space<any>>
      %dma_start3A_64 = tpu.memref_squeeze %dma_start3A_63 : memref<1x3072x768xf32, #tpu.memory_space<any>> -> memref<3072x768xf32, #tpu.memory_space<any>>
      tpu.enqueue_dma source(%dma_start3A_64 : memref<3072x768xf32, #tpu.memory_space<any>>) target(%dma_start3A_60 : memref<3072x768xf32, #tpu.memory_space<vmem>>) target_semaphore(%dma_start3A_56 : memref<!tpu.dma_semaphore, #tpu.memory_space<semaphore_mem>>)
      %dma_start3A_65 = arith.constant 1 : i32
      %dma_start3A_66 = tpu.memref_slice %arg15[%dma_start3A_65, %get3A_54] : memref<2x2x!tpu.dma_semaphore, #tpu.memory_space<semaphore_mem>> -> memref<1x1x!tpu.dma_semaphore, #tpu.memory_space<semaphore_mem>>
      %dma_start3A_67 = tpu.memref_squeeze %dma_start3A_66 : memref<1x1x!tpu.dma_semaphore, #tpu.memory_space<semaphore_mem>> -> memref<!tpu.dma_semaphore, #tpu.memory_space<semaphore_mem>>
      %dma_start3A_68 = arith.constant 0 : i32
      %dma_start3A_69 = arith.constant 0 : i32
      %dma_start3A_70 = tpu.memref_slice %arg14[%get3A_54, %dma_start3A_68, %dma_start3A_69] : memref<2x768x3072xf32, #tpu.memory_space<vmem>> -> memref<1x768x3072xf32, #tpu.memory_space<vmem>>
      %dma_start3A_71 = tpu.memref_squeeze %dma_start3A_70 : memref<1x768x3072xf32, #tpu.memory_space<vmem>> -> memref<768x3072xf32, #tpu.memory_space<vmem>>
      %dma_start3A_72 = arith.constant 0 : i32
      %dma_start3A_73 = arith.constant 0 : i32
      %dma_start3A_74 = tpu.memref_slice %arg6[%get3A_51, %dma_start3A_72, %dma_start3A_73] : memref<8x768x3072xf32, #tpu.memory_space<any>> -> memref<1x768x3072xf32, #tpu.memory_space<any>>
      %dma_start3A_75 = tpu.memref_squeeze %dma_start3A_74 : memref<1x768x3072xf32, #tpu.memory_space<any>> -> memref<768x3072xf32, #tpu.memory_space<any>>
      tpu.enqueue_dma source(%dma_start3A_75 : memref<768x3072xf32, #tpu.memory_space<any>>) target(%dma_start3A_71 : memref<768x3072xf32, #tpu.memory_space<vmem>>) target_semaphore(%dma_start3A_67 : memref<!tpu.dma_semaphore, #tpu.memory_space<semaphore_mem>>)
    } else {
    }
    %eq3A_20 = arith.constant 1 : i32
    %eq3A_21 = arith.cmpi eq, %get3A_4, %eq3A_20 : i32
    %convert_element_type3A_22 = arith.extui %eq3A_21 : i1 to i32
    %cond3A_23 = arith.constant 0 : i32
    %cond3A_24 = arith.cmpi ne, %convert_element_type3A_22, %cond3A_23 : i32
    scf.if %cond3A_24 {
      %get3A_49 = arith.constant 3 : index
      %get3A_50 = arith.index_cast %arg0 : i32 to index
      %get3A_51 = memref.load %arg1[%get3A_49, %get3A_50] : memref<12x39xi32, #tpu.memory_space<smem>>
      %dma_wait3A = arith.constant 0 : i32
      %dma_wait3A_52 = tpu.memref_slice %arg15[%dma_wait3A, %get3A_7] : memref<2x2x!tpu.dma_semaphore, #tpu.memory_space<semaphore_mem>> -> memref<1x1x!tpu.dma_semaphore, #tpu.memory_space<semaphore_mem>>
      %dma_wait3A_53 = tpu.memref_squeeze %dma_wait3A_52 : memref<1x1x!tpu.dma_semaphore, #tpu.memory_space<semaphore_mem>> -> memref<!tpu.dma_semaphore, #tpu.memory_space<semaphore_mem>>
      %dma_wait3A_54 = arith.constant 0 : i32
      %dma_wait3A_55 = arith.constant 0 : i32
      %dma_wait3A_56 = tpu.memref_slice %arg13[%get3A_7, %dma_wait3A_54, %dma_wait3A_55] : memref<2x3072x768xf32, #tpu.memory_space<vmem>> -> memref<1x3072x768xf32, #tpu.memory_space<vmem>>
      %dma_wait3A_57 = tpu.memref_squeeze %dma_wait3A_56 : memref<1x3072x768xf32, #tpu.memory_space<vmem>> -> memref<3072x768xf32, #tpu.memory_space<vmem>>
      %dma_wait3A_58 = arith.constant 0 : i32
      %dma_wait3A_59 = arith.constant 0 : i32
      %dma_wait3A_60 = tpu.memref_slice %arg4[%get3A_51, %dma_wait3A_58, %dma_wait3A_59] : memref<8x3072x768xf32, #tpu.memory_space<any>> -> memref<1x3072x768xf32, #tpu.memory_space<any>>
      %dma_wait3A_61 = tpu.memref_squeeze %dma_wait3A_60 : memref<1x3072x768xf32, #tpu.memory_space<any>> -> memref<3072x768xf32, #tpu.memory_space<any>>
      tpu.wait_dma2 semaphore(%dma_wait3A_53 : memref<!tpu.dma_semaphore, #tpu.memory_space<semaphore_mem>>) src(%dma_wait3A_61 : memref<3072x768xf32, #tpu.memory_space<any>>) dst(%dma_wait3A_57 : memref<3072x768xf32, #tpu.memory_space<vmem>>)
      %dma_wait3A_62 = arith.constant 1 : i32
      %dma_wait3A_63 = tpu.memref_slice %arg15[%dma_wait3A_62, %get3A_7] : memref<2x2x!tpu.dma_semaphore, #tpu.memory_space<semaphore_mem>> -> memref<1x1x!tpu.dma_semaphore, #tpu.memory_space<semaphore_mem>>
      %dma_wait3A_64 = tpu.memref_squeeze %dma_wait3A_63 : memref<1x1x!tpu.dma_semaphore, #tpu.memory_space<semaphore_mem>> -> memref<!tpu.dma_semaphore, #tpu.memory_space<semaphore_mem>>
      %dma_wait3A_65 = arith.constant 0 : i32
      %dma_wait3A_66 = arith.constant 0 : i32
      %dma_wait3A_67 = tpu.memref_slice %arg14[%get3A_7, %dma_wait3A_65, %dma_wait3A_66] : memref<2x768x3072xf32, #tpu.memory_space<vmem>> -> memref<1x768x3072xf32, #tpu.memory_space<vmem>>
      %dma_wait3A_68 = tpu.memref_squeeze %dma_wait3A_67 : memref<1x768x3072xf32, #tpu.memory_space<vmem>> -> memref<768x3072xf32, #tpu.memory_space<vmem>>
      %dma_wait3A_69 = arith.constant 0 : i32
      %dma_wait3A_70 = arith.constant 0 : i32
      %dma_wait3A_71 = tpu.memref_slice %arg6[%get3A_51, %dma_wait3A_69, %dma_wait3A_70] : memref<8x768x3072xf32, #tpu.memory_space<any>> -> memref<1x768x3072xf32, #tpu.memory_space<any>>
      %dma_wait3A_72 = tpu.memref_squeeze %dma_wait3A_71 : memref<1x768x3072xf32, #tpu.memory_space<any>> -> memref<768x3072xf32, #tpu.memory_space<any>>
      tpu.wait_dma2 semaphore(%dma_wait3A_64 : memref<!tpu.dma_semaphore, #tpu.memory_space<semaphore_mem>>) src(%dma_wait3A_72 : memref<768x3072xf32, #tpu.memory_space<any>>) dst(%dma_wait3A_68 : memref<768x3072xf32, #tpu.memory_space<vmem>>)
    } else {
    }
    %get3A_25 = arith.constant 10 : index
    %get3A_26 = arith.index_cast %arg0 : i32 to index
    %get3A_27 = memref.load %arg1[%get3A_25, %get3A_26] : memref<12x39xi32, #tpu.memory_space<smem>>
    %eq3A_28 = arith.constant 0 : i32
    %eq3A_29 = arith.cmpi eq, %get3A_1, %eq3A_28 : i32
    %eq3A_30 = arith.constant 1 : i32
    %eq3A_31 = arith.cmpi eq, %get3A_27, %eq3A_30 : i32
    %and3A_32 = arith.andi %eq3A_29, %eq3A_31 : i1
    %convert_element_type3A_33 = arith.extui %and3A_32 : i1 to i32
    %cond3A_34 = arith.constant 0 : i32
    %cond3A_35 = arith.cmpi ne, %convert_element_type3A_33, %cond3A_34 : i32
    scf.if %cond3A_35 {
      %get3A_49 = arith.constant 0 : index
      %get3A_50 = arith.constant 0 : index
      %get3A_51 = vector.load %arg2[%get3A_49, %get3A_50] : memref<128x768xf32, #tpu.memory_space<vmem>>, vector<128x768xf32>
      %get3A_52 = arith.index_cast %get3A_7 : i32 to index
      %get3A_53 = arith.constant 0 : index
      %get3A_54 = arith.constant 0 : index
      %get3A_55 = vector.load %arg13[%get3A_52, %get3A_53, %get3A_54] : memref<2x3072x768xf32, #tpu.memory_space<vmem>>, vector<1x3072x768xf32>
      %get3A_56 = vector.shape_cast %get3A_55 : vector<1x3072x768xf32> to vector<3072x768xf32>
      %get3A_57 = arith.constant 0 : index
      %get3A_58 = arith.constant 0 : index
      %get3A_59 = arith.constant 0 : index
      %get3A_60 = vector.load %arg5[%get3A_57, %get3A_58, %get3A_59] : memref<1x1x3072xf32, #tpu.memory_space<vmem>>, vector<1x1x3072xf32>
      %get3A_61 = vector.shape_cast %get3A_60 : vector<1x1x3072xf32> to vector<1x3072xf32>
      %get3A_62 = arith.index_cast %get3A_7 : i32 to index
      %get3A_63 = arith.constant 0 : index
      %get3A_64 = arith.constant 0 : index
      %get3A_65 = vector.load %arg14[%get3A_62, %get3A_63, %get3A_64] : memref<2x768x3072xf32, #tpu.memory_space<vmem>>, vector<1x768x3072xf32>
      %get3A_66 = vector.shape_cast %get3A_65 : vector<1x768x3072xf32> to vector<768x3072xf32>
      %get3A_67 = arith.constant 0 : index
      %get3A_68 = arith.constant 0 : index
      %get3A_69 = arith.constant 0 : index
      %get3A_70 = vector.load %arg7[%get3A_67, %get3A_68, %get3A_69] : memref<1x1x768xf32, #tpu.memory_space<vmem>>, vector<1x1x768xf32>
      %get3A_71 = vector.shape_cast %get3A_70 : vector<1x1x768xf32> to vector<1x768xf32>
      %dot_general3A = arith.constant dense<0.000000e+00> : vector<128x3072xf32>
      %dot_general3A_72 = tpu.matmul %get3A_51, %get3A_56, %dot_general3A {dimension_numbers = #tpu.dot_dimension_numbers<[1], [1], [0], [0], [0, 0, 1, 0], [], []>, transpose_lhs_hint = false} : vector<128x768xf32>, vector<3072x768xf32>, vector<128x3072xf32> -> vector<128x3072xf32>
      %add3A = vector.broadcast %get3A_61 : vector<1x3072xf32> to vector<128x3072xf32>
      %add3A_73 = arith.addf %dot_general3A_72, %add3A : vector<128x3072xf32>
      %mul3A = arith.constant 5.000000e-01 : f32
      %mul3A_74 = vector.broadcast %mul3A : f32 to vector<128x3072xf32>
      %mul3A_75 = arith.mulf %mul3A_74, %add3A_73 : vector<128x3072xf32>
      %mul3A_76 = arith.constant 0.707106769 : f32
      %mul3A_77 = vector.broadcast %mul3A_76 : f32 to vector<128x3072xf32>
      %mul3A_78 = arith.mulf %add3A_73, %mul3A_77 : vector<128x3072xf32>
      %erf3A = math.erf %mul3A_78 : vector<128x3072xf32>
      %add3A_79 = arith.constant 1.000000e+00 : f32
      %add3A_80 = vector.broadcast %add3A_79 : f32 to vector<128x3072xf32>
      %add3A_81 = arith.addf %add3A_80, %erf3A : vector<128x3072xf32>
      %mul3A_82 = arith.mulf %mul3A_75, %add3A_81 : vector<128x3072xf32>
      %dot_general3A_83 = arith.constant dense<0.000000e+00> : vector<128x768xf32>
      %dot_general3A_84 = tpu.matmul %mul3A_82, %get3A_66, %dot_general3A_83 {dimension_numbers = #tpu.dot_dimension_numbers<[1], [1], [0], [0], [0, 0, 1, 0], [], []>, transpose_lhs_hint = false} : vector<128x3072xf32>, vector<768x3072xf32>, vector<128x768xf32> -> vector<128x768xf32>
      %add3A_85 = vector.broadcast %get3A_71 : vector<1x768xf32> to vector<128x768xf32>
      %add3A_86 = arith.addf %dot_general3A_84, %add3A_85 : vector<128x768xf32>
      %swap3A = arith.constant 0 : index
      %swap3A_87 = arith.constant 0 : index
      %swap3A_88 = vector.load %arg12[%swap3A, %swap3A_87] : memref<128x768xf32, #tpu.memory_space<vmem>>, vector<128x768xf32>
      tpu.vector_store %arg12[%swap3A, %swap3A_87], %add3A_86 {strides = array<i32>} : memref<128x768xf32, #tpu.memory_space<vmem>>, vector<128x768xf32>,
    } else {
    }
    %eq3A_36 = arith.constant 0 : i32
    %eq3A_37 = arith.cmpi eq, %get3A_1, %eq3A_36 : i32
    %eq3A_38 = arith.constant 0 : i32
    %eq3A_39 = arith.cmpi eq, %get3A_27, %eq3A_38 : i32
    %and3A_40 = arith.andi %eq3A_37, %eq3A_39 : i1
    %convert_element_type3A_41 = arith.extui %and3A_40 : i1 to i32
    %cond3A_42 = arith.constant 0 : i32
    %cond3A_43 = arith.cmpi ne, %convert_element_type3A_41, %cond3A_42 : i32
    scf.if %cond3A_43 {
      %broadcast_in_dim3A = arith.constant 0.000000e+00 : f32
      %broadcast_in_dim3A_49 = vector.broadcast %broadcast_in_dim3A : f32 to vector<128x768xf32>
      %swap3A = arith.constant 0 : index
      %swap3A_50 = arith.constant 0 : index
      %swap3A_51 = vector.load %arg12[%swap3A, %swap3A_50] : memref<128x768xf32, #tpu.memory_space<vmem>>, vector<128x768xf32>
      tpu.vector_store %arg12[%swap3A, %swap3A_50], %broadcast_in_dim3A_49 {strides = array<i32>} : memref<128x768xf32, #tpu.memory_space<vmem>>, vector<128x768xf32>,
    } else {
    }
    %eq3A_44 = arith.constant 1 : i32
    %eq3A_45 = arith.cmpi eq, %get3A_1, %eq3A_44 : i32
    %convert_element_type3A_46 = arith.extui %eq3A_45 : i1 to i32
    %cond3A_47 = arith.constant 0 : i32
    %cond3A_48 = arith.cmpi ne, %convert_element_type3A_46, %cond3A_47 : i32
    scf.if %cond3A_48 {
      %get3A_49 = arith.constant 0 : index
      %get3A_50 = arith.constant 0 : index
      %get3A_51 = vector.load %arg3[%get3A_49, %get3A_50] : memref<128x768xf32, #tpu.memory_space<vmem>>, vector<128x768xf32>
      %get3A_52 = arith.constant 0 : index
      %get3A_53 = arith.constant 0 : index
      %get3A_54 = vector.load %arg8[%get3A_52, %get3A_53] : memref<3072x768xf32, #tpu.memory_space<vmem>>, vector<3072x768xf32>
      %get3A_55 = arith.constant 0 : index
      %get3A_56 = arith.constant 0 : index
      %get3A_57 = vector.load %arg9[%get3A_55, %get3A_56] : memref<1x3072xf32, #tpu.memory_space<vmem>>, vector<1x3072xf32>
      %get3A_58 = arith.constant 0 : index
      %get3A_59 = arith.constant 0 : index
      %get3A_60 = vector.load %arg10[%get3A_58, %get3A_59] : memref<768x3072xf32, #tpu.memory_space<vmem>>, vector<768x3072xf32>
      %get3A_61 = arith.constant 0 : index
      %get3A_62 = arith.constant 0 : index
      %get3A_63 = vector.load %arg11[%get3A_61, %get3A_62] : memref<1x768xf32, #tpu.memory_space<vmem>>, vector<1x768xf32>
      %dot_general3A = arith.constant dense<0.000000e+00> : vector<128x3072xf32>
      %dot_general3A_64 = tpu.matmul %get3A_51, %get3A_54, %dot_general3A {dimension_numbers = #tpu.dot_dimension_numbers<[1], [1], [0], [0], [0, 0, 1, 0], [], []>, transpose_lhs_hint = false} : vector<128x768xf32>, vector<3072x768xf32>, vector<128x3072xf32> -> vector<128x3072xf32>
      %add3A = vector.broadcast %get3A_57 : vector<1x3072xf32> to vector<128x3072xf32>
      %add3A_65 = arith.addf %dot_general3A_64, %add3A : vector<128x3072xf32>
      %mul3A = arith.constant 5.000000e-01 : f32
      %mul3A_66 = vector.broadcast %mul3A : f32 to vector<128x3072xf32>
      %mul3A_67 = arith.mulf %mul3A_66, %add3A_65 : vector<128x3072xf32>
      %mul3A_68 = arith.constant 0.707106769 : f32
      %mul3A_69 = vector.broadcast %mul3A_68 : f32 to vector<128x3072xf32>
      %mul3A_70 = arith.mulf %add3A_65, %mul3A_69 : vector<128x3072xf32>
      %erf3A = math.erf %mul3A_70 : vector<128x3072xf32>
      %add3A_71 = arith.constant 1.000000e+00 : f32
      %add3A_72 = vector.broadcast %add3A_71 : f32 to vector<128x3072xf32>
      %add3A_73 = arith.addf %add3A_72, %erf3A : vector<128x3072xf32>
      %mul3A_74 = arith.mulf %mul3A_67, %add3A_73 : vector<128x3072xf32>
      %dot_general3A_75 = arith.constant dense<0.000000e+00> : vector<128x768xf32>
      %dot_general3A_76 = tpu.matmul %mul3A_74, %get3A_60, %dot_general3A_75 {dimension_numbers = #tpu.dot_dimension_numbers<[1], [1], [0], [0], [0, 0, 1, 0], [], []>, transpose_lhs_hint = false} : vector<128x3072xf32>, vector<768x3072xf32>, vector<128x768xf32> -> vector<128x768xf32>
      %add3A_77 = vector.broadcast %get3A_63 : vector<1x768xf32> to vector<128x768xf32>
      %add3A_78 = arith.addf %dot_general3A_76, %add3A_77 : vector<128x768xf32>
      %swap3A = arith.constant 0 : index
      %swap3A_79 = arith.constant 0 : index
      %swap3A_80 = vector.load %arg12[%swap3A, %swap3A_79] : memref<128x768xf32, #tpu.memory_space<vmem>>, vector<128x768xf32>
      tpu.vector_store %arg12[%swap3A, %swap3A_79], %add3A_78 {strides = array<i32>} : memref<128x768xf32, #tpu.memory_space<vmem>>, vector<128x768xf32>,
    } else {
    }
    return
  }
  func.func @transform_0(%arg0: i32, %arg1: memref<12x39xi32, #tpu.memory_space<smem>>) -> (i32, i32) {
    %get3A = arith.constant 1 : index
    %get3A_0 = arith.index_cast %arg0 : i32 to index
    %get3A_1 = memref.load %arg1[%get3A, %get3A_0] : memref<12x39xi32, #tpu.memory_space<smem>>
    %c0_i32 = arith.constant 0 : i32
    %c0_i32_2 = arith.constant 0 : i32
    return %get3A_1, %c0_i32 : i32, i32
  }
  func.func @transform_1(%arg0: i32, %arg1: memref<12x39xi32, #tpu.memory_space<smem>>) -> (i32, i32) {
    %get3A = arith.constant 2 : index
    %get3A_0 = arith.index_cast %arg0 : i32 to index
    %get3A_1 = memref.load %arg1[%get3A, %get3A_0] : memref<12x39xi32, #tpu.memory_space<smem>>
    %c0_i32 = arith.constant 0 : i32
    %c0_i32_2 = arith.constant 0 : i32
    return %get3A_1, %c0_i32 : i32, i32
  }
  func.func @transform_3(%arg0: i32, %arg1: memref<12x39xi32, #tpu.memory_space<smem>>) -> (i32, i32, i32) {
    %get3A = arith.constant 3 : index
    %get3A_0 = arith.index_cast %arg0 : i32 to index
    %get3A_1 = memref.load %arg1[%get3A, %get3A_0] : memref<12x39xi32, #tpu.memory_space<smem>>
    %c0_i32 = arith.constant 0 : i32
    %c0_i32_2 = arith.constant 0 : i32
    %c0_i32_3 = arith.constant 0 : i32
    return %get3A_1, %c0_i32, %c0_i32_2 : i32, i32, i32
  }
  func.func @transform_5(%arg0: i32, %arg1: memref<12x39xi32, #tpu.memory_space<smem>>) -> (i32, i32, i32) {
    %get3A = arith.constant 3 : index
    %get3A_0 = arith.index_cast %arg0 : i32 to index
    %get3A_1 = memref.load %arg1[%get3A, %get3A_0] : memref<12x39xi32, #tpu.memory_space<smem>>
    %c0_i32 = arith.constant 0 : i32
    %c0_i32_2 = arith.constant 0 : i32
    %c0_i32_3 = arith.constant 0 : i32
    return %get3A_1, %c0_i32, %c0_i32_2 : i32, i32, i32
  }
  func.func @transform_6(%arg0: i32, %arg1: memref<12x39xi32, #tpu.memory_space<smem>>) -> (i32, i32) {
    %c0_i32 = arith.constant 0 : i32
    %c0_i32_0 = arith.constant 0 : i32
    %c0_i32_1 = arith.constant 0 : i32
    return %c0_i32, %c0_i32_0 : i32, i32
  }
  func.func @transform_7(%arg0: i32, %arg1: memref<12x39xi32, #tpu.memory_space<smem>>) -> (i32, i32) {
    %c0_i32 = arith.constant 0 : i32
    %c0_i32_0 = arith.constant 0 : i32
    %c0_i32_1 = arith.constant 0 : i32
    return %c0_i32, %c0_i32_0 : i32, i32
  }
  func.func @transform_8(%arg0: i32, %arg1: memref<12x39xi32, #tpu.memory_space<smem>>) -> (i32, i32) {
    %c0_i32 = arith.constant 0 : i32
    %c0_i32_0 = arith.constant 0 : i32
    %c0_i32_1 = arith.constant 0 : i32
    return %c0_i32, %c0_i32_0 : i32, i32
  }
  func.func @transform_9(%arg0: i32, %arg1: memref<12x39xi32, #tpu.memory_space<smem>>) -> (i32, i32) {
    %c0_i32 = arith.constant 0 : i32
    %c0_i32_0 = arith.constant 0 : i32
    %c0_i32_1 = arith.constant 0 : i32
    return %c0_i32, %c0_i32_0 : i32, i32
  }
  func.func @transform_10(%arg0: i32, %arg1: memref<12x39xi32, #tpu.memory_space<smem>>) -> (i32, i32) {
    %get3A = arith.constant 11 : index
    %get3A_0 = arith.index_cast %arg0 : i32 to index
    %get3A_1 = memref.load %arg1[%get3A, %get3A_0] : memref<12x39xi32, #tpu.memory_space<smem>>
    %c0_i32 = arith.constant 0 : i32
    %c0_i32_2 = arith.constant 0 : i32
    return %get3A_1, %c0_i32 : i32, i32
  }
}

module attributes {stable_mosaic.version = 14 : i64} {
  func.func @_final_body(%arg0: memref<2048x1xf32, #tpu.memory_space<vmem>>, %arg1: memref<2048x768xf32, #tpu.memory_space<vmem>>, %arg2: memref<2048x768xf32, #tpu.memory_space<vmem>>, %arg3: memref<2048x768xf32, #tpu.memory_space<vmem>>) attributes {dimension_semantics = [], scalar_prefetch = 0 : i64, scratch_operands = 0 : i64, tpu.core_type = #tpu.core_type<tc>} {
    %get3A = arith.constant 0 : index
    %get3A_0 = arith.constant 0 : index
    %get3A_1 = vector.load %arg0[%get3A, %get3A_0] : memref<2048x1xf32, #tpu.memory_space<vmem>>, vector<2048x1xf32>
    %get3A_2 = arith.constant 0 : index
    %get3A_3 = arith.constant 0 : index
    %get3A_4 = vector.load %arg1[%get3A_2, %get3A_3] : memref<2048x768xf32, #tpu.memory_space<vmem>>, vector<2048x768xf32>
    %mul3A = vector.broadcast %get3A_1 : vector<2048x1xf32> to vector<2048x768xf32>
    %mul3A_5 = arith.mulf %mul3A, %get3A_4 : vector<2048x768xf32>
    %get3A_6 = arith.constant 0 : index
    %get3A_7 = arith.constant 0 : index
    %get3A_8 = vector.load %arg2[%get3A_6, %get3A_7] : memref<2048x768xf32, #tpu.memory_space<vmem>>, vector<2048x768xf32>
    %add3A = arith.addf %mul3A_5, %get3A_8 : vector<2048x768xf32>
    %swap3A = arith.constant 0 : index
    %swap3A_9 = arith.constant 0 : index
    %swap3A_10 = vector.load %arg3[%swap3A, %swap3A_9] : memref<2048x768xf32, #tpu.memory_space<vmem>>, vector<2048x768xf32>
    tpu.vector_store %arg3[%swap3A, %swap3A_9], %add3A {strides = array<i32>} : memref<2048x768xf32, #tpu.memory_space<vmem>>, vector<2048x768xf32>,
    return
  }
}

</mosaic_0001>

<sc_bundles>
// kernel: kernel.10.cloned.1.call-start
scs
__scs_entry_jumppad:
0x0: {  	(pc) =	sbr.rel $0x88, $3  }
0x1: {  	(tag) =	ssettag $0x0;
	lr =	simm.s32 $0x1  }
0x2: {  	[smem:$0x3F97] =	sst lr;
	_ =	strace $0xD0000000  }
0x3: {  	_ = 	snop  }
0x4: {  	_ = 	snop  }
0x5: {  	_ = 	snop  }
0x6: {  	_ = 	snop  }
0x7: {  	_ = 	snop  }
__scs_overlays_trampoline_lowered:
0x8: {  	[smem:$0x3FA6] =	sst s0  }
0x9: {  	[smem:$0x3FA7] =	sst s1  }
0xa: {  	[smem:$0x3FA8] =	sst s2  }
0xb: {  	[smem:$0x3FA9] =	sst s3  }
0xc: {  	[smem:$0x3FAA] =	sst s4  }
0xd: {  	[smem:$0x3FAB] =	sst s5  }
0xe: {  	[smem:$0x3FAC] =	sst s6  }
0xf: {  	[smem:$0x3FAD] =	sst s7  }
0x10: {  	[smem:$0x3FAE] =	sst s8  }
0x11: {  	[smem:$0x3FAF] =	sst s9;
	s0 =	simm.s32 @!p0 $0x0  }
0x12: {  	s1 =	sld [smem:$0x3F95];
	s0 =	simm.s32 @p0 $0x1  }
0x13: {  	[smem:$0x3FB0] =	sst s0;
	s0 =	simm.s32 @!p1 $0x0  }
0x14: {  	s2 =	sld [smem:$0x3F94];
	s0 =	simm.s32 @p1 $0x1  }
0x15: {  	[smem:$0x3FB1] =	sst s0;
	s0 =	simm.s32 @!p2 $0x0  }
0x16: {  	s3 =	sld [smem:$0x3FDB];
	s0 =	simm.s32 @p2 $0x1  }
0x17: {  	s4 =	simm.s32 $0x1BF5;
	[smem:$0x3FB3] =	sst s0  }
0x18: {  	s0 =	sld [smem:$0x3F96];
	_ =	swait.ge [sflag:s4], $0x0  }
0x19: {  	s7 =	sld [smem:$0x3F97]  }
0x1a: {  	s8 =	sadd.s32 $0xFFFFE003, lr  }
0x1b: {  	s9 =	sadd.s32 $0xFFFFFEF7, lr;
	s5 =	simm.s32 $0xFFFFFFFF;
	p2 =	slt.u32 s8, $0xFFFFF086  }
0x1c: {  	p1 =	slt.u32 s9, $0xF7A;
	s5 =	simm.s32 @!p2 $0x0  }
0x1d: {  	s5 =	simm.s32 @p1 $0x1;
	p0 =	seq.s32 s7, s2  }
0x1e: {  	s7 =	smul.u32 @!p0 $0xF7A, s2;
	p2 =	seq.s32 @!p0 s5, $0x0  }
0x1f: {  	s9 =	smul.u32 $0xF7A, s1;
	s8 =	simm.s32 @!p0 $0x1BF5;
	p2 =	por !p2, p0  }
0x20: {  	[sflag:s8] =	ssyncset.s32 @!p0 $0xFFFFF086;
	s6 =	sadd.s32 @!p0 s3, s7;
	s7 =	simm.s32 @!p0 $0x108  }
0x21: {  	s3 =	sadd.s32 s3, s9;
	s6 =	sadd.s32 @!p0 $0x88, s6;
	s7 =	simm.s32 @p2 $0x1082  }
0x22: {  	[simem:s7], [sflag:s8] =	dma.local @!p0 [hbm:s6], $0xF7A  }
0x23: {  	s9 =	sor.u32 $0xD0000000, s2;
	s6 =	simm.s32 $0x108;
	_ =	swait.ge @!p0 [sflag:s8], $0x0  }
0x24: {  	s3 =	sadd.s32 $0x88, s3;
	s6 =	simm.s32 @!p1 $0x1082;
	[sflag:s4] =	ssyncset.s32 $0xFFFFF086  }
0x25: {  	[simem:s6], [sflag:s4] =	dma.local [hbm:s3], $0xF7A  }
0x26: {  	[smem:$0x3F97] =	sst s1;
	(tag) =	ssettag s2;
	_ =	strace s9  }
0x27: {  	s1 =	sld [smem:$0x3FA7]  }
0x28: {  	s2 =	sld [smem:$0x3FA8]  }
0x29: {  	s4 =	sld [smem:$0x3FAA]  }
0x2a: {  	p0 =	seq.s32 s5, $0x0;
	s5 =	sld [smem:$0x3FAB]  }
0x2b: {  	s6 =	sld [smem:$0x3FAC]  }
0x2c: {  	s7 =	sld [smem:$0x3FAD]  }
0x2d: {  	s3 =	simm.s32 $0x108;
	s8 =	sld [smem:$0x3FAE]  }
0x2e: {  	s3 =	simm.s32 @!p0 $0x1082;
	s9 =	sld [smem:$0x3FAF]  }
0x2f: {  	lr =	sadd.s32 s0, s3;
	s0 =	sld [smem:$0x3FA6]  }
0x30: {  	s3 =	sld [smem:$0x3FA9]  }
0x31: {  	[smem:$0x3FB2] =	sst s10  }
0x32: {  	s10 =	sld [smem:$0x3FB0];
	_ =	sdelay $0x3  }
0x33: {  	p0 =	seq.s32 s10, $0x1;
	s10 =	sld [smem:$0x3FB2];
	_ =	sdelay $0x3  }
0x34: {  	[smem:$0x3FB2] =	sst s10  }
0x35: {  	s10 =	sld [smem:$0x3FB1];
	_ =	sdelay $0x3  }
0x36: {  	p1 =	seq.s32 s10, $0x1;
	s10 =	sld [smem:$0x3FB2];
	_ =	sdelay $0x3  }
0x37: {  	[smem:$0x3FB2] =	sst s10  }
0x38: {  	s10 =	sld [smem:$0x3FB3]  }
0x39: {  	_ = 	snop;
	(pc) =	sbr.ind lr, $3  }
0x3a: {  	_ = 	snop  }
0x3b: {  	_ = 	snop  }
0x3c: {  	p2 =	seq.s32 s10, $0x1;
	s10 =	sld [smem:$0x3FB2]  }
0x3d: {  	_ =	shalt  }
0x3e: {  	_ =	shalt  }
0x3f: {  	_ =	shalt  }
0x40: {  	_ =	shalt  }
0x41: {  	_ =	shalt  }
0x42: {  	_ =	shalt  }
0x43: {  	_ =	shalt  }
0x44: {  	_ =	shalt  }
0x45: {  	_ =	shalt  }
0x46: {  	_ =	shalt  }
0x47: {  	_ =	shalt  }
0x48: {  	_ =	shalt  }
0x49: {  	_ =	shalt  }
0x4a: {  	_ =	shalt  }
0x4b: {  	_ =	shalt  }
0x4c: {  	_ =	shalt  }
0x4d: {  	_ =	shalt  }
0x4e: {  	_ =	shalt  }
0x4f: {  	_ =	shalt  }
0x50: {  	_ =	shalt  }
0x51: {  	_ =	shalt  }
0x52: {  	_ =	shalt  }
0x53: {  	_ =	shalt  }
0x54: {  	_ =	shalt  }
0x55: {  	_ =	shalt  }
0x56: {  	_ =	shalt  }
0x57: {  	_ =	shalt  }
0x58: {  	_ =	shalt  }
0x59: {  	_ =	shalt  }
0x5a: {  	_ =	shalt  }
0x5b: {  	_ =	shalt  }
0x5c: {  	_ =	shalt  }
0x5d: {  	_ =	shalt  }
0x5e: {  	_ =	shalt  }
0x5f: {  	_ =	shalt  }
0x60: {  	_ =	shalt  }
0x61: {  	_ =	shalt  }
0x62: {  	_ =	shalt  }
0x63: {  	_ =	shalt  }
0x64: {  	_ =	shalt  }
0x65: {  	_ =	shalt  }
0x66: {  	_ =	shalt  }
0x67: {  	_ =	shalt  }
0x68: {  	_ =	shalt  }
0x69: {  	_ =	shalt  }
0x6a: {  	_ =	shalt  }
0x6b: {  	_ =	shalt  }
0x6c: {  	_ =	shalt  }
0x6d: {  	_ =	shalt  }
0x6e: {  	_ =	shalt  }
0x6f: {  	_ =	shalt  }
0x70: {  	_ =	shalt  }
0x71: {  	_ =	shalt  }
0x72: {  	_ =	shalt  }
0x73: {  	_ =	shalt  }
0x74: {  	_ =	shalt  }
0x75: {  	_ =	shalt  }
0x76: {  	_ =	shalt  }
0x77: {  	_ =	shalt  }
0x78: {  	_ =	shalt  }
0x79: {  	_ =	shalt  }
0x7a: {  	_ =	shalt  }
0x7b: {  	_ =	shalt  }
0x7c: {  	_ =	shalt  }
0x7d: {  	_ =	shalt  }
0x7e: {  	_ =	shalt  }
0x7f: {  	_ =	shalt  }
0x80: {  	_ =	shalt  }
0x81: {  	_ =	shalt  }
0x82: {  	_ =	shalt  }
0x83: {  	_ =	shalt  }
0x84: {  	_ =	shalt  }
0x85: {  	_ =	shalt  }
0x86: {  	_ =	shalt  }
0x87: {  	_ =	shalt  }
.Lfunc_end0:
.L_simem_size_0:
called_computation.1_lowered:
.L_overlay_start_0:
0x88: {  	s2 =	sld [smem:$0x3FD9]  }
0x89: {  	s3 =	sld [smem:$0x3FFE];
	_ =	sdelay $0x1  }
0x8a: {  	s1 =	srdreg.scid  }
0x8b: {  	s0 =	sand.u32 $0x1, s1  }
0x8c: {  	s17 =	sshll.u32 s0, $0xA;
	s2 =	sadd.s32 s3, s2  }
0x8d: {  	s2 =	sadd.s32 s2, s17  }
0x8e: {  	[smem:$0x3FBE] =	sst s2  }
0x8f: {  	_ = 	snop  }
0x90: {  	s2 =	sld [smem:$0x3FD0];
	(tm) =	ssettm $0x1  }
0x91: {  	s18 =	sld [smem:$0x3FFB];
	_ =	sdelay $0x3  }
0x92: {  	_ =	strace s18  }
0x93: {  	s3 =	sld [smem:$0x3FFC];
	_ =	sdelay $0x3  }
0x94: {  	_ =	strace s3  }
0x95: {  	s3 =	sld [smem:$0x3FFD];
	_ =	sdelay $0x3  }
0x96: {  	_ =	strace s3  }
0x97: {  	_ =	strace $0x8FFFFFFF  }
0x98: {  	s19 =	sld [smem:$0x3FDB];
	_ =	sdelay $0x1  }
0x99: {  	s4 =	simm.s32 $_scs_section_size  }
0x9a: {  	s5 =	simm.s32 $_size__tile_overlayer_lowered;
	s6 =	simm.s32 $_tile_overlayer_lowered  }
0x9b: {  	s22 =	simm.s32 $0x1BFF;
	s21 =	sshll.u32 s6, $0x1;
	s3 =	sadd.s32 s4, s19  }
0x9c: {  	s7 =	simm.s32 $0x0;
	s20 =	sshll.u32 s5, $0x1;
	s5 =	sadd.s32 s21, s3  }
0x9d: {  	[timem:s7], [sflag:s22] =	dma.local [hbm:s5], s20  }
0x9e: {  	_ =	swait.ge [sflag:s22], s20  }
0x9f: {  	s4 =	ssub.s32 $0x0, s20;
	[sflag:s22] =	ssyncset.done $0x0  }
0xa0: {  	[sflag:s22] =	ssyncadd.s32 s4;
	_ =	sdelay $0x1  }
0xa1: {  	s23 =	simm.s32 $0x1B8B  }
0xa2: {  	_ =	swait.ge [sflag:s23], $0x1  }
0xa3: {  	[sflag:s23] =	ssyncset.done $0x0  }
0xa4: {  	s25 =	simm.s32 $0x1B8E;
	s24 =	sld [smem:$0x3FFE];
	[sflag:s23] =	ssyncadd.s32 $0xFFFFFFFF  }
0xa5: {  	s26 =	simm.s32 $execute0_lowered;
	[smem:$0x3FD2] =	sst s25  }
0xa6: {  	s5 =	sshll.u32 s26, $0x1;
	_ =	strace $0x80000049;
	[dreg:$0x1] =	wrdreg $0xFFFFFFFF  }
0xa7: {  	s28 =	simm.s32 $_size_execute0_lowered;
	s3 =	sadd.s32 s3, s5;
	[dreg:$0x0] =	wrdreg $0x0  }
0xa8: {  	s5 =	sshll.u32 s28, $0x1;
	[dreg:$0x2] =	wrdreg s3  }
0xa9: {  	[dreg:$0x3] =	wrdreg s5  }
0xaa: {  	[dreg:$0x4] =	wrdreg $0xC0  }
0xab: {  	_ =	task [dreg:s7], $0x5FFFF  }
0xac: {  	[dreg:$0x1] =	wrdreg $0xFFFFFFFF  }
0xad: {  	[dreg:$0x0] =	wrdreg $0x60  }
0xae: {  	[dreg:$0x2] =	wrdreg s24  }
0xaf: {  	[dreg:$0x3] =	wrdreg s2  }
0xb0: {  	[dreg:$0x4] =	wrdreg $0x9  }
0xb1: {  	_ =	task.clear_ibuf [dreg:s7], $0x5FFFF;
	_ =	strace $0x90000049  }
0xb2: {  	s29 =	simm.s32 $0x9;
	_ =	strace $0x8000004B  }
0xb3: {  	_ =	swait.ge [sflag:s29], $0x1  }
0xb4: {  	[sflag:s29] =	ssyncadd.s32 $0xFFFFFFFF  }
0xb5: {  	_ =	strace $0x9000004B  }
0xb6: {  	_ =	sfence  }
0xb7: {  	s30 =	sld [smem:$0x0];
	_ =	sdelay $0x2  }
0xb8: {  	s31 =	sshll.u32 s1, $0xD;
	s1 =	sshrl.u32 s1, $0x2  }
0xb9: {  	s3 =	sand.u32 $0x4000, s31;
	s1 =	sadd.s32 s1, s30  }
0xba: {  	s0 =	sor.u32 s3, s0;
	s1 =	sshll.u32 s1, $0x11  }
0xbb: {  	s0 =	sor.u32 s1, s0  }
0xbc: {  	s0 =	sadd.s32 $0x8F2B, s0  }
0xbd: {  	[sflag:s0] =	ssyncadd.remote.s32 $0x1  }
0xbe: {  	_ =	sfence.sel $0xFFFF  }
0xbf: {  	[dreg:$0x0] =	wrdreg $0xFFFFFFFF;
	(pc) =	sbr.abs _section_cstart, $3  }
0xc0: {  	[dreg:$0x1] =	wrdreg $0xFFFFFFFF  }
0xc1: {  	_ =	task.clear_ibuf [dreg:s7], $0x2FFFF;
	_ =	strace $0x9FFFFFFF  }
0xc2: {  	(tm) =	ssettm $0x7FFFFFFF  }
0xc3: {  	_ =	shalt  }
tec
execute0_lowered:
.L_overlay_start_1:
0x0: {  	(tag) =	ssettag $0x1  }
0x1: {  	s0 =	rddreg [dreg:$0x0]  }
0x2: {  	s5 =	rddreg [dreg:$0x1];
	s3 =	srdreg.scid  }
0x3: {  	s2 =	simm.s32 $0x0;
	s1 =	stileid.u32;
	s26 =	simm.s32 $0x880  }
0x4: {  	s10 =	simm.s32 $0x1880;
	s11 =	simm.s32 $0x2080;
	s12 =	simm.s32 $0x2880  }
0x5: {  	s13 =	simm.s32 $0x3080;
	s14 =	simm.s32 $0x3880;
	s15 =	simm.s32 $0x4080  }
0x6: {  	s16 =	simm.s32 $0x4880;
	s17 =	simm.s32 $0x5080;
	s18 =	simm.s32 $0x5880  }
0x7: {  	s19 =	simm.s32 $0x6080;
	s20 =	simm.s32 $0x6880;
	s21 =	simm.s32 $0x7080  }
0x8: {  	s22 =	simm.s32 $0x7880;
	s28 =	simm.s32 $0xA080;
	s29 =	simm.s32 $0xA880  }
0x9: {  	s30 =	simm.s32 $0xB080;
	s31 =	simm.s32 $0xB880;
	s3 =	sand.u32 $0x1, s3  }
0xa: {  	[smem:$0x7FF] =	sst s2;
	s4 =	sshll.u32 s1, $0x4;
	s6 =	sshll.u32 s3, $0x3  }
0xb: {  	_ =	strace $0x8000004A;
	s23 =	ssub.s32 $0x2, s3;
	s3 =	sadd.s32 $0x8200, s0  }
0xc: {  	[dreg:$0x5] =	wrdreg s26;
	s26 =	simm.s32 $0x9880;
	s4 =	sor.u32 s6, s4  }
0xd: {  	s8 =	sshrl.u32 s23, $0x1;
	s7 =	sadd.s32 s4, s0;
	s9 =	smul.u32 $0x300, s4  }
0xe: {  	s6 =	ssub.s32 s23, s8;
	s4 =	sadd.s32 $0x8300, s0;
	s8 =	simm.s32 $0x80  }
0xf: {  	s23 =	simm.s32 $0x8080;
	s24 =	sadd.s32 $0x8000, s7;
	s6 =	smax.u32 s6, $0x1  }
0x10: {  	v2 =	vlaneseq.u32;
	s7 =	simm.s32 $0x2;
	[dreg:$0x3] =	wrdreg s24;
	s25 =	sadd.s32 s5, s9  }
0x11: {  	vm0 =	vmmov $0xffff;
	v1 =	vshrl.u32 v2, $0x3;
	s5 =	sadd.s32 $0x8400, s0;
	s9 =	simm.s32 $0x1080;
	s24 =	simm.s32 $0x8880  }
0x12: {  	v0 =	vand.u32 $0x7, v2;
	v2 =	vor.u32 $0x8, v2;
	v1 =	vmul.u32 $0x8, v1;
	s0 =	simm.s32 $0x1;
	[dreg:$0x4] =	wrdreg s25;
	s25 =	simm.s32 $0x9080  }
.LBB2_1:
0x13: {  	s1 =	rddreg [dreg:$0x3]  }
0x14: {  	[tilespmem:s2], [sflag:$0x2] =	stream.linear.gather [hbm4b:s1+s2], $0x40, $0x38;
	[tilespmem:$0xC080] =	vst v63  }
0x15: {  	_ =	swait.ge [sflag:s7], $0x40  }
0x16: {  	[sflag:s7] =	ssyncset.done $0x0  }
0x17: {  	[sflag:s7] =	ssyncadd.s32 $0xFFFFFFC0  }
0x18: {  	v3 =	vld [tilespmem:$0x0];
	_ =	sdelay $0x4  }
0x19: {  	v4 =	vshrl.u32 v3, $0x3  }
0x1a: {  	v4 =	vmul.u32 $0x30, v4  }
0x1b: {  	v3 =	vand.u32 $0x7, v3  }
0x1c: {  	v3 =	vor.u32 v3, v4  }
0x1d: {  	v4 =	vperm.xlane v3, v0;
	_ =	sdelay $0x1  }
0x1e: {  	v4 =	vadd.s32 v1, v4;
	_ =	sdelay $0x3  }
0x1f: {  	v3 =	vperm.xlane v3, v2  }
0x20: {  	[tilespmem:s8], [sflag:$0x1] =	stream.indirect_vreg.gather [hbm4b:s3+s2], $0x80, v4, vm0, $0xb8;
	[tilespmem:$0xC080] =	vst v63  }
0x21: {  	s1 =	rddreg [dreg:$0x5];
	v3 =	vadd.s32 v1, v3  }
0x22: {  	[tilespmem:s1], [sflag:$0x1] =	stream.indirect_vreg.gather [hbm4b:s4+s2], $0x80, v4, vm0, $0xb8;
	[tilespmem:$0xC080] =	vst v63  }
0x23: {  	_ = 	snop  }
0x24: {  	[tilespmem:s9], [sflag:$0x1] =	stream.indirect_vreg.gather [hbm4b:s5+s2], $0x80, v4, vm0, $0xb8;
	[tilespmem:$0xC080] =	vst v63  }
0x25: {  	_ = 	snop  }
0x26: {  	[tilespmem:s10], [sflag:$0x1] =	stream.indirect_vreg.gather [hbm4b:s3+s2], $0x80, v3, vm0, $0xb8;
	[tilespmem:$0xC080] =	vst v63  }
0x27: {  	_ = 	snop  }
0x28: {  	[tilespmem:s11], [sflag:$0x1] =	stream.indirect_vreg.gather [hbm4b:s4+s2], $0x80, v3, vm0, $0xb8;
	[tilespmem:$0xC080] =	vst v63  }
0x29: {  	_ = 	snop  }
0x2a: {  	[tilespmem:s12], [sflag:$0x1] =	stream.indirect_vreg.gather [hbm4b:s5+s2], $0x80, v3, vm0, $0xb8;
	[tilespmem:$0xC080] =	vst v63  }
0x2b: {  	v3 =	vld [tilespmem:$0x10];
	_ =	sdelay $0x4  }
0x2c: {  	v61 =	vshrl.u32 v3, $0x3  }
0x2d: {  	v4 =	vmul.u32 $0x30, v61  }
0x2e: {  	v3 =	vand.u32 $0x7, v3  }
0x2f: {  	v3 =	vor.u32 v3, v4  }
0x30: {  	v4 =	vperm.xlane v3, v0;
	_ =	sdelay $0x1  }
0x31: {  	v4 =	vadd.s32 v1, v4;
	_ =	sdelay $0x3  }
0x32: {  	v3 =	vperm.xlane v3, v2  }
0x33: {  	[tilespmem:s13], [sflag:$0x1] =	stream.indirect_vreg.gather [hbm4b:s3+s2], $0x80, v4, vm0, $0xb8;
	[tilespmem:$0xC080] =	vst v63  }
0x34: {  	v3 =	vadd.s32 v1, v3  }
0x35: {  	[tilespmem:s14], [sflag:$0x1] =	stream.indirect_vreg.gather [hbm4b:s4+s2], $0x80, v4, vm0, $0xb8;
	[tilespmem:$0xC080] =	vst v63  }
0x36: {  	_ = 	snop  }
0x37: {  	[tilespmem:s15], [sflag:$0x1] =	stream.indirect_vreg.gather [hbm4b:s5+s2], $0x80, v4, vm0, $0xb8;
	[tilespmem:$0xC080] =	vst v63  }
0x38: {  	_ = 	snop  }
0x39: {  	[tilespmem:s16], [sflag:$0x1] =	stream.indirect_vreg.gather [hbm4b:s3+s2], $0x80, v3, vm0, $0xb8;
	[tilespmem:$0xC080] =	vst v63  }
0x3a: {  	_ = 	snop  }
0x3b: {  	[tilespmem:s17], [sflag:$0x1] =	stream.indirect_vreg.gather [hbm4b:s4+s2], $0x80, v3, vm0, $0xb8;
	[tilespmem:$0xC080] =	vst v63  }
0x3c: {  	_ = 	snop  }
0x3d: {  	[tilespmem:s18], [sflag:$0x1] =	stream.indirect_vreg.gather [hbm4b:s5+s2], $0x80, v3, vm0, $0xb8;
	[tilespmem:$0xC080] =	vst v63  }
0x3e: {  	v3 =	vld [tilespmem:$0x20];
	_ =	sdelay $0x4  }
0x3f: {  	v62 =	vshrl.u32 v3, $0x3  }
0x40: {  	v4 =	vmul.u32 $0x30, v62  }
0x41: {  	v3 =	vand.u32 $0x7, v3  }
0x42: {  	v3 =	vor.u32 v3, v4  }
0x43: {  	v4 =	vperm.xlane v3, v0;
	_ =	sdelay $0x1  }
0x44: {  	v4 =	vadd.s32 v1, v4;
	_ =	sdelay $0x3  }
0x45: {  	v3 =	vperm.xlane v3, v2  }
0x46: {  	[tilespmem:s19], [sflag:$0x1] =	stream.indirect_vreg.gather [hbm4b:s3+s2], $0x80, v4, vm0, $0xb8;
	[tilespmem:$0xC080] =	vst v63  }
0x47: {  	v3 =	vadd.s32 v1, v3  }
0x48: {  	[tilespmem:s20], [sflag:$0x1] =	stream.indirect_vreg.gather [hbm4b:s4+s2], $0x80, v4, vm0, $0xb8;
	[tilespmem:$0xC080] =	vst v63  }
0x49: {  	_ = 	snop  }
0x4a: {  	[tilespmem:s21], [sflag:$0x1] =	stream.indirect_vreg.gather [hbm4b:s5+s2], $0x80, v4, vm0, $0xb8;
	[tilespmem:$0xC080] =	vst v63  }
0x4b: {  	_ = 	snop  }
0x4c: {  	[tilespmem:s22], [sflag:$0x1] =	stream.indirect_vreg.gather [hbm4b:s3+s2], $0x80, v3, vm0, $0xb8;
	[tilespmem:$0xC080] =	vst v63  }
0x4d: {  	_ = 	snop  }
0x4e: {  	[tilespmem:s23], [sflag:$0x1] =	stream.indirect_vreg.gather [hbm4b:s4+s2], $0x80, v3, vm0, $0xb8;
	[tilespmem:$0xC080] =	vst v63  }
0x4f: {  	_ = 	snop  }
0x50: {  	[tilespmem:s24], [sflag:$0x1] =	stream.indirect_vreg.gather [hbm4b:s5+s2], $0x80, v3, vm0, $0xb8;
	[tilespmem:$0xC080] =	vst v63  }
0x51: {  	v3 =	vld [tilespmem:$0x30];
	_ =	sdelay $0x4  }
0x52: {  	v63 =	vshrl.u32 v3, $0x3  }
0x53: {  	v4 =	vmul.u32 $0x30, v63  }
0x54: {  	v3 =	vand.u32 $0x7, v3  }
0x55: {  	v3 =	vor.u32 v3, v4  }
0x56: {  	v4 =	vperm.xlane v3, v0;
	_ =	sdelay $0x1  }
0x57: {  	v4 =	vadd.s32 v1, v4;
	_ =	sdelay $0x3  }
0x58: {  	v3 =	vperm.xlane v3, v2  }
0x59: {  	[tilespmem:s25], [sflag:$0x1] =	stream.indirect_vreg.gather [hbm4b:s3+s2], $0x80, v4, vm0, $0xb8;
	[tilespmem:$0xC080] =	vst v63  }
0x5a: {  	v3 =	vadd.s32 v1, v3  }
0x5b: {  	[tilespmem:s26], [sflag:$0x1] =	stream.indirect_vreg.gather [hbm4b:s4+s2], $0x80, v4, vm0, $0xb8;
	[tilespmem:$0xC080] =	vst v63  }
0x5c: {  	_ = 	snop  }
0x5d: {  	[tilespmem:s28], [sflag:$0x1] =	stream.indirect_vreg.gather [hbm4b:s5+s2], $0x80, v4, vm0, $0xb8;
	[tilespmem:$0xC080] =	vst v63  }
0x5e: {  	_ = 	snop  }
0x5f: {  	[tilespmem:s29], [sflag:$0x1] =	stream.indirect_vreg.gather [hbm4b:s3+s2], $0x80, v3, vm0, $0xb8;
	[tilespmem:$0xC080] =	vst v63  }
0x60: {  	_ = 	snop  }
0x61: {  	[tilespmem:s30], [sflag:$0x1] =	stream.indirect_vreg.gather [hbm4b:s4+s2], $0x80, v3, vm0, $0xb8;
	[tilespmem:$0xC080] =	vst v63  }
0x62: {  	_ = 	snop  }
0x63: {  	[tilespmem:s31], [sflag:$0x1] =	stream.indirect_vreg.gather [hbm4b:s5+s2], $0x80, v3, vm0, $0xb8;
	[tilespmem:$0xC080] =	vst v63  }
0x64: {  	_ =	swait.ge [sflag:s0], $0xC000  }
0x65: {  	p0 =	sne.s32 s6, $0x1;
	[sflag:s0] =	ssyncset.done $0x0  }
.Ltmp0:
0x66: {  	s1 =	rddreg [dreg:$0x4];
	[sflag:s0] =	ssyncadd.s32 $0xFFFF4000;
	(pc) =	sbr.rel @p0 .LBB2_1-.Ltmp0, $4  }
0x67: {  	[hbm4b:s1+s2] =	stream.linear.scatter [tilespmem:s8], [sflag:$0x2], $0xC000, $0x38;
	[tilespmem:$0xC080] =	vst v63  }
0x68: {  	_ =	swait.ge [sflag:s7], $0xC000  }
0x69: {  	[sflag:s7] =	ssyncset.done $0x0  }
0x6a: {  	s6 =	sadd.s32 $0xFFFFFFFF, s6;
	[sflag:s7] =	ssyncadd.s32 $0xFFFF4000  }
0x6b: {  	_ =	sfence.sel $0x180000  }
0x6c: {  	[bflag:$0x0] =	sbarrier.arrive $0xFFFF  }
0x6d: {  	_ =	strace $0x9000004A  }
0x6e: {  	s0 =	stileid.u32;
	[bflag:$0x2] =	sbarrier.arrive $0xFFFF  }
0x6f: {  	p0 =	sne.s32 s0, $0x0;
	s0 =	rddreg [dreg:$0x2]  }
0x70: {  	s0 =	sadd.s32 @!p0 $0x100000, s0  }
0x71: {  	[sflag:s0] =	ssyncadd.tile.s32 @!p0 $0x1;
	_ =	shalt  }
.Lfunc_end2:
_tile_overlayer_lowered:
.L_overlay_start_2:
0x72: {  	(tag) =	ssettag $0x2  }
0x73: {  	s0 =	rddreg [dreg:$0x0];
	s2 =	stileid.u32  }
0x74: {  	s1 =	rddreg [dreg:$0x1];
	p0 =	sne.s32 s2, $0x0  }
0x75: {  	s3 =	rddreg [dreg:$0x2];
	[bflag:$0x3] =	sbarrier.arrive $0xFFFF;
	s2 =	simm.s32 @!p0 $0x1C02  }
0x76: {  	[timem:s3], [sflag:s2] =	dma.local @!p0 [hbm:s0], s1  }
0x77: {  	s0 =	simm.s32 @!p0 $0x2  }
0x78: {  	_ =	swait.ge @!p0 [sflag:s0], s1  }
0x79: {  	s1 =	ssub.s32 @!p0 $0x0, s1;
	[sflag:s0] =	ssyncset.done @!p0 $0x0  }
0x7a: {  	[sflag:s0] =	ssyncadd.s32 @!p0 s1  }
0x7b: {  	[bflag:$0x3] =	sbarrier.arrive $0xFFFF  }
0x7c: {  	_ =	shalt  }

// kernel: kernel.7.cloned.1.call-start
scs
__scs_entry_jumppad:
0x0: {  	(pc) =	sbr.rel $0x88, $3  }
0x1: {  	(tag) =	ssettag $0x0;
	lr =	simm.s32 $0x1  }
0x2: {  	[smem:$0x3F97] =	sst lr;
	_ =	strace $0xD0000000  }
0x3: {  	_ = 	snop  }
0x4: {  	_ = 	snop  }
0x5: {  	_ = 	snop  }
0x6: {  	_ = 	snop  }
0x7: {  	_ = 	snop  }
__scs_overlays_trampoline_lowered:
0x8: {  	[smem:$0x3FA6] =	sst s0  }
0x9: {  	[smem:$0x3FA7] =	sst s1  }
0xa: {  	[smem:$0x3FA8] =	sst s2  }
0xb: {  	[smem:$0x3FA9] =	sst s3  }
0xc: {  	[smem:$0x3FAA] =	sst s4  }
0xd: {  	[smem:$0x3FAB] =	sst s5  }
0xe: {  	[smem:$0x3FAC] =	sst s6  }
0xf: {  	[smem:$0x3FAD] =	sst s7  }
0x10: {  	[smem:$0x3FAE] =	sst s8  }
0x11: {  	[smem:$0x3FAF] =	sst s9;
	s0 =	simm.s32 @!p0 $0x0  }
0x12: {  	s1 =	sld [smem:$0x3F95];
	s0 =	simm.s32 @p0 $0x1  }
0x13: {  	[smem:$0x3FB0] =	sst s0;
	s0 =	simm.s32 @!p1 $0x0  }
0x14: {  	s2 =	sld [smem:$0x3F94];
	s0 =	simm.s32 @p1 $0x1  }
0x15: {  	[smem:$0x3FB1] =	sst s0;
	s0 =	simm.s32 @!p2 $0x0  }
0x16: {  	s3 =	sld [smem:$0x3FDB];
	s0 =	simm.s32 @p2 $0x1  }
0x17: {  	s4 =	simm.s32 $0x1BF5;
	[smem:$0x3FB3] =	sst s0  }
0x18: {  	s0 =	sld [smem:$0x3F96];
	_ =	swait.ge [sflag:s4], $0x0  }
0x19: {  	s7 =	sld [smem:$0x3F97]  }
0x1a: {  	s8 =	sadd.s32 $0xFFFFE003, lr  }
0x1b: {  	s9 =	sadd.s32 $0xFFFFFEF7, lr;
	s5 =	simm.s32 $0xFFFFFFFF;
	p2 =	slt.u32 s8, $0xFFFFF086  }
0x1c: {  	p1 =	slt.u32 s9, $0xF7A;
	s5 =	simm.s32 @!p2 $0x0  }
0x1d: {  	s5 =	simm.s32 @p1 $0x1;
	p0 =	seq.s32 s7, s2  }
0x1e: {  	s7 =	smul.u32 @!p0 $0xF7A, s2;
	p2 =	seq.s32 @!p0 s5, $0x0  }
0x1f: {  	s9 =	smul.u32 $0xF7A, s1;
	s8 =	simm.s32 @!p0 $0x1BF5;
	p2 =	por !p2, p0  }
0x20: {  	[sflag:s8] =	ssyncset.s32 @!p0 $0xFFFFF086;
	s6 =	sadd.s32 @!p0 s3, s7;
	s7 =	simm.s32 @!p0 $0x108  }
0x21: {  	s3 =	sadd.s32 s3, s9;
	s6 =	sadd.s32 @!p0 $0x88, s6;
	s7 =	simm.s32 @p2 $0x1082  }
0x22: {  	[simem:s7], [sflag:s8] =	dma.local @!p0 [hbm:s6], $0xF7A  }
0x23: {  	s9 =	sor.u32 $0xD0000000, s2;
	s6 =	simm.s32 $0x108;
	_ =	swait.ge @!p0 [sflag:s8], $0x0  }
0x24: {  	s3 =	sadd.s32 $0x88, s3;
	s6 =	simm.s32 @!p1 $0x1082;
	[sflag:s4] =	ssyncset.s32 $0xFFFFF086  }
0x25: {  	[simem:s6], [sflag:s4] =	dma.local [hbm:s3], $0xF7A  }
0x26: {  	[smem:$0x3F97] =	sst s1;
	(tag) =	ssettag s2;
	_ =	strace s9  }
0x27: {  	s1 =	sld [smem:$0x3FA7]  }
0x28: {  	s2 =	sld [smem:$0x3FA8]  }
0x29: {  	s4 =	sld [smem:$0x3FAA]  }
0x2a: {  	p0 =	seq.s32 s5, $0x0;
	s5 =	sld [smem:$0x3FAB]  }
0x2b: {  	s6 =	sld [smem:$0x3FAC]  }
0x2c: {  	s7 =	sld [smem:$0x3FAD]  }
0x2d: {  	s3 =	simm.s32 $0x108;
	s8 =	sld [smem:$0x3FAE]  }
0x2e: {  	s3 =	simm.s32 @!p0 $0x1082;
	s9 =	sld [smem:$0x3FAF]  }
0x2f: {  	lr =	sadd.s32 s0, s3;
	s0 =	sld [smem:$0x3FA6]  }
0x30: {  	s3 =	sld [smem:$0x3FA9]  }
0x31: {  	[smem:$0x3FB2] =	sst s10  }
0x32: {  	s10 =	sld [smem:$0x3FB0];
	_ =	sdelay $0x3  }
0x33: {  	p0 =	seq.s32 s10, $0x1;
	s10 =	sld [smem:$0x3FB2];
	_ =	sdelay $0x3  }
0x34: {  	[smem:$0x3FB2] =	sst s10  }
0x35: {  	s10 =	sld [smem:$0x3FB1];
	_ =	sdelay $0x3  }
0x36: {  	p1 =	seq.s32 s10, $0x1;
	s10 =	sld [smem:$0x3FB2];
	_ =	sdelay $0x3  }
0x37: {  	[smem:$0x3FB2] =	sst s10  }
0x38: {  	s10 =	sld [smem:$0x3FB3]  }
0x39: {  	_ = 	snop;
	(pc) =	sbr.ind lr, $3  }
0x3a: {  	_ = 	snop  }
0x3b: {  	_ = 	snop  }
0x3c: {  	p2 =	seq.s32 s10, $0x1;
	s10 =	sld [smem:$0x3FB2]  }
0x3d: {  	_ =	shalt  }
0x3e: {  	_ =	shalt  }
0x3f: {  	_ =	shalt  }
0x40: {  	_ =	shalt  }
0x41: {  	_ =	shalt  }
0x42: {  	_ =	shalt  }
0x43: {  	_ =	shalt  }
0x44: {  	_ =	shalt  }
0x45: {  	_ =	shalt  }
0x46: {  	_ =	shalt  }
0x47: {  	_ =	shalt  }
0x48: {  	_ =	shalt  }
0x49: {  	_ =	shalt  }
0x4a: {  	_ =	shalt  }
0x4b: {  	_ =	shalt  }
0x4c: {  	_ =	shalt  }
0x4d: {  	_ =	shalt  }
0x4e: {  	_ =	shalt  }
0x4f: {  	_ =	shalt  }
0x50: {  	_ =	shalt  }
0x51: {  	_ =	shalt  }
0x52: {  	_ =	shalt  }
0x53: {  	_ =	shalt  }
0x54: {  	_ =	shalt  }
0x55: {  	_ =	shalt  }
0x56: {  	_ =	shalt  }
0x57: {  	_ =	shalt  }
0x58: {  	_ =	shalt  }
0x59: {  	_ =	shalt  }
0x5a: {  	_ =	shalt  }
0x5b: {  	_ =	shalt  }
0x5c: {  	_ =	shalt  }
0x5d: {  	_ =	shalt  }
0x5e: {  	_ =	shalt  }
0x5f: {  	_ =	shalt  }
0x60: {  	_ =	shalt  }
0x61: {  	_ =	shalt  }
0x62: {  	_ =	shalt  }
0x63: {  	_ =	shalt  }
0x64: {  	_ =	shalt  }
0x65: {  	_ =	shalt  }
0x66: {  	_ =	shalt  }
0x67: {  	_ =	shalt  }
0x68: {  	_ =	shalt  }
0x69: {  	_ =	shalt  }
0x6a: {  	_ =	shalt  }
0x6b: {  	_ =	shalt  }
0x6c: {  	_ =	shalt  }
0x6d: {  	_ =	shalt  }
0x6e: {  	_ =	shalt  }
0x6f: {  	_ =	shalt  }
0x70: {  	_ =	shalt  }
0x71: {  	_ =	shalt  }
0x72: {  	_ =	shalt  }
0x73: {  	_ =	shalt  }
0x74: {  	_ =	shalt  }
0x75: {  	_ =	shalt  }
0x76: {  	_ =	shalt  }
0x77: {  	_ =	shalt  }
0x78: {  	_ =	shalt  }
0x79: {  	_ =	shalt  }
0x7a: {  	_ =	shalt  }
0x7b: {  	_ =	shalt  }
0x7c: {  	_ =	shalt  }
0x7d: {  	_ =	shalt  }
0x7e: {  	_ =	shalt  }
0x7f: {  	_ =	shalt  }
0x80: {  	_ =	shalt  }
0x81: {  	_ =	shalt  }
0x82: {  	_ =	shalt  }
0x83: {  	_ =	shalt  }
0x84: {  	_ =	shalt  }
0x85: {  	_ =	shalt  }
0x86: {  	_ =	shalt  }
0x87: {  	_ =	shalt  }
.Lfunc_end0:
.L_simem_size_0:
called_computation_lowered:
.L_overlay_start_0:
0x88: {  	s2 =	sld [smem:$0x3FD9]  }
0x89: {  	s3 =	sld [smem:$0x3FFE];
	_ =	sdelay $0x1  }
0x8a: {  	s1 =	srdreg.scid  }
0x8b: {  	s0 =	sand.u32 $0x1, s1  }
0x8c: {  	s17 =	sshll.u32 s0, $0xA;
	s2 =	sadd.s32 s3, s2  }
0x8d: {  	s2 =	sadd.s32 s2, s17  }
0x8e: {  	[smem:$0x3FBE] =	sst s2  }
0x8f: {  	_ = 	snop  }
0x90: {  	s2 =	sld [smem:$0x3FC9];
	(tm) =	ssettm $0x1  }
0x91: {  	s18 =	sld [smem:$0x3FFB];
	_ =	sdelay $0x3  }
0x92: {  	_ =	strace s18  }
0x93: {  	s3 =	sld [smem:$0x3FFC];
	_ =	sdelay $0x3  }
0x94: {  	_ =	strace s3  }
0x95: {  	s3 =	sld [smem:$0x3FFD];
	_ =	sdelay $0x3  }
0x96: {  	_ =	strace s3  }
0x97: {  	_ =	strace $0x8FFFFFFF  }
0x98: {  	s19 =	sld [smem:$0x3FDB];
	_ =	sdelay $0x1  }
0x99: {  	s4 =	simm.s32 $_scs_section_size  }
0x9a: {  	s5 =	simm.s32 $_size__tile_overlayer_lowered;
	s6 =	simm.s32 $_tile_overlayer_lowered  }
0x9b: {  	s22 =	simm.s32 $0x1BFF;
	s21 =	sshll.u32 s6, $0x1;
	s3 =	sadd.s32 s4, s19  }
0x9c: {  	s7 =	simm.s32 $0x0;
	s20 =	sshll.u32 s5, $0x1;
	s5 =	sadd.s32 s21, s3  }
0x9d: {  	[timem:s7], [sflag:s22] =	dma.local [hbm:s5], s20  }
0x9e: {  	_ =	swait.ge [sflag:s22], s20  }
0x9f: {  	s4 =	ssub.s32 $0x0, s20;
	[sflag:s22] =	ssyncset.done $0x0  }
0xa0: {  	[sflag:s22] =	ssyncadd.s32 s4;
	_ =	sdelay $0x1  }
0xa1: {  	s23 =	simm.s32 $0x1B8B  }
0xa2: {  	_ =	swait.ge [sflag:s23], $0x1  }
0xa3: {  	[sflag:s23] =	ssyncset.done $0x0  }
0xa4: {  	s25 =	simm.s32 $0x1B8E;
	s24 =	sld [smem:$0x3FFE];
	[sflag:s23] =	ssyncadd.s32 $0xFFFFFFFF  }
0xa5: {  	s26 =	simm.s32 $execute0_lowered;
	[smem:$0x3FD2] =	sst s25  }
0xa6: {  	s5 =	sshll.u32 s26, $0x1;
	_ =	strace $0x80000046;
	[dreg:$0x1] =	wrdreg $0xFFFFFFFF  }
0xa7: {  	s28 =	simm.s32 $_size_execute0_lowered;
	s3 =	sadd.s32 s3, s5;
	[dreg:$0x0] =	wrdreg $0x0  }
0xa8: {  	s5 =	sshll.u32 s28, $0x1;
	[dreg:$0x2] =	wrdreg s3  }
0xa9: {  	[dreg:$0x3] =	wrdreg s5  }
0xaa: {  	[dreg:$0x4] =	wrdreg $0xC0  }
0xab: {  	_ =	task [dreg:s7], $0x5FFFF  }
0xac: {  	[dreg:$0x1] =	wrdreg $0xFFFFFFFF  }
0xad: {  	[dreg:$0x0] =	wrdreg $0x60  }
0xae: {  	[dreg:$0x2] =	wrdreg s2  }
0xaf: {  	[dreg:$0x3] =	wrdreg s24  }
0xb0: {  	[dreg:$0x4] =	wrdreg $0x9  }
0xb1: {  	_ =	task.clear_ibuf [dreg:s7], $0x5FFFF;
	_ =	strace $0x90000046  }
0xb2: {  	s29 =	simm.s32 $0x9;
	_ =	strace $0x80000048  }
0xb3: {  	_ =	swait.ge [sflag:s29], $0x1  }
0xb4: {  	[sflag:s29] =	ssyncadd.s32 $0xFFFFFFFF  }
0xb5: {  	_ =	strace $0x90000048  }
0xb6: {  	_ =	sfence  }
0xb7: {  	s30 =	sld [smem:$0x0];
	_ =	sdelay $0x2  }
0xb8: {  	s31 =	sshll.u32 s1, $0xD;
	s1 =	sshrl.u32 s1, $0x2  }
0xb9: {  	s3 =	sand.u32 $0x4000, s31;
	s1 =	sadd.s32 s1, s30  }
0xba: {  	s0 =	sor.u32 s3, s0;
	s1 =	sshll.u32 s1, $0x11  }
0xbb: {  	s0 =	sor.u32 s1, s0  }
0xbc: {  	s0 =	sadd.s32 $0x8F2B, s0  }
0xbd: {  	[sflag:s0] =	ssyncadd.remote.s32 $0x1  }
0xbe: {  	_ =	sfence.sel $0xFFFF  }
0xbf: {  	[dreg:$0x0] =	wrdreg $0xFFFFFFFF;
	(pc) =	sbr.abs _section_cstart, $3  }
0xc0: {  	[dreg:$0x1] =	wrdreg $0xFFFFFFFF  }
0xc1: {  	_ =	task.clear_ibuf [dreg:s7], $0x2FFFF;
	_ =	strace $0x9FFFFFFF  }
0xc2: {  	(tm) =	ssettm $0x7FFFFFFF  }
0xc3: {  	_ =	shalt  }
tec
execute0_lowered:
.L_overlay_start_1:
0x0: {  	(tag) =	ssettag $0x1  }
0x1: {  	s1 =	srdreg.scid  }
0x2: {  	s3 =	rddreg [dreg:$0x0];
	s0 =	stileid.u32  }
0x3: {  	s5 =	rddreg [dreg:$0x1];
	s2 =	simm.s32 $0x0;
	s8 =	simm.s32 $0x80  }
0x4: {  	s26 =	simm.s32 $0x880;
	s9 =	simm.s32 $0x1080;
	s10 =	simm.s32 $0x1880  }
0x5: {  	s11 =	simm.s32 $0x2080;
	s12 =	simm.s32 $0x2880;
	s13 =	simm.s32 $0x3080  }
0x6: {  	s14 =	simm.s32 $0x3880;
	s15 =	simm.s32 $0x4080;
	s16 =	simm.s32 $0x4880  }
0x7: {  	s17 =	simm.s32 $0x5080;
	s18 =	simm.s32 $0x5880;
	s19 =	simm.s32 $0x6080  }
0x8: {  	s20 =	simm.s32 $0x6880;
	s21 =	simm.s32 $0x7080;
	s22 =	simm.s32 $0x7880  }
0x9: {  	s23 =	simm.s32 $0x8080;
	s24 =	simm.s32 $0x8880;
	s25 =	simm.s32 $0x9080  }
0xa: {  	s28 =	simm.s32 $0xA080;
	s29 =	simm.s32 $0xA880;
	s30 =	simm.s32 $0xB080  }
0xb: {  	s31 =	simm.s32 $0xB880;
	s1 =	sand.u32 $0x1, s1;
	[smem:$0x7FF] =	sst s2  }
0xc: {  	s4 =	sshll.u32 s0, $0x4;
	s6 =	sshll.u32 s1, $0x3;
	_ =	strace $0x80000047  }
0xd: {  	s1 =	ssub.s32 $0x2, s1;
	[dreg:$0x5] =	wrdreg s26;
	s4 =	sor.u32 s6, s4  }
0xe: {  	s7 =	sshrl.u32 s1, $0x1;
	s6 =	sadd.s32 s4, s5;
	s4 =	smul.u32 $0x300, s4  }
0xf: {  	s26 =	simm.s32 $0x9880;
	s1 =	ssub.s32 s1, s7;
	s6 =	sadd.s32 $0x8000, s6  }
0x10: {  	v2 =	vlaneseq.u32;
	s7 =	simm.s32 $0x2;
	[dreg:$0x3] =	wrdreg s6;
	s4 =	sadd.s32 s3, s4  }
0x11: {  	vm0 =	vmmov $0xffff;
	v1 =	vshrl.u32 v2, $0x3;
	s3 =	sadd.s32 $0x8200, s5;
	s6 =	smax.u32 s1, $0x1;
	s1 =	simm.s32 $0x1  }
0x12: {  	v0 =	vand.u32 $0x7, v2;
	v2 =	vor.u32 $0x8, v2;
	v1 =	vmul.u32 $0x8, v1;
	[dreg:$0x4] =	wrdreg s4;
	s4 =	sadd.s32 $0x8300, s5;
	s5 =	sadd.s32 $0x8400, s5  }
.LBB2_1:
0x13: {  	s0 =	rddreg [dreg:$0x3]  }
0x14: {  	[tilespmem:s2], [sflag:$0x2] =	stream.linear.gather [hbm4b:s0+s2], $0x40, $0x38;
	[tilespmem:$0xC080] =	vst v63  }
0x15: {  	_ =	swait.ge [sflag:s7], $0x40  }
0x16: {  	[sflag:s7] =	ssyncset.done $0x0  }
0x17: {  	s0 =	rddreg [dreg:$0x4];
	[sflag:s7] =	ssyncadd.s32 $0xFFFFFFC0  }
0x18: {  	[tilespmem:s8], [sflag:$0x2] =	stream.linear.gather [hbm4b:s0+s2], $0xC000, $0x38;
	[tilespmem:$0xC080] =	vst v63  }
0x19: {  	_ =	swait.ge [sflag:s7], $0xC000  }
0x1a: {  	[sflag:s7] =	ssyncset.done $0x0  }
0x1b: {  	[sflag:s7] =	ssyncadd.s32 $0xFFFF4000  }
0x1c: {  	v3 =	vld [tilespmem:$0x0];
	_ =	sdelay $0x4  }
0x1d: {  	v4 =	vshrl.u32 v3, $0x3  }
0x1e: {  	v4 =	vmul.u32 $0x30, v4  }
0x1f: {  	v3 =	vand.u32 $0x7, v3  }
0x20: {  	v3 =	vor.u32 v3, v4  }
0x21: {  	v4 =	vperm.xlane v3, v0;
	_ =	sdelay $0x1  }
0x22: {  	v4 =	vadd.s32 v1, v4;
	_ =	sdelay $0x3  }
0x23: {  	v3 =	vperm.xlane v3, v2  }
0x24: {  	[hbm4b:s3+s2] =	stream.indirect_vreg.scatter [tilespmem:s8], [sflag:$0x1], $0x80, v4, vm0, $0xb8;
	[tilespmem:$0xC080] =	vst v63  }
0x25: {  	s0 =	rddreg [dreg:$0x5];
	v3 =	vadd.s32 v1, v3  }
0x26: {  	[hbm4b:s4+s2] =	stream.indirect_vreg.scatter [tilespmem:s0], [sflag:$0x1], $0x80, v4, vm0, $0xb8;
	[tilespmem:$0xC080] =	vst v63  }
0x27: {  	_ = 	snop  }
0x28: {  	[hbm4b:s5+s2] =	stream.indirect_vreg.scatter [tilespmem:s9], [sflag:$0x1], $0x80, v4, vm0, $0xb8;
	[tilespmem:$0xC080] =	vst v63  }
0x29: {  	_ = 	snop  }
0x2a: {  	[hbm4b:s3+s2] =	stream.indirect_vreg.scatter [tilespmem:s10], [sflag:$0x1], $0x80, v3, vm0, $0xb8;
	[tilespmem:$0xC080] =	vst v63  }
0x2b: {  	_ = 	snop  }
0x2c: {  	[hbm4b:s4+s2] =	stream.indirect_vreg.scatter [tilespmem:s11], [sflag:$0x1], $0x80, v3, vm0, $0xb8;
	[tilespmem:$0xC080] =	vst v63  }
0x2d: {  	_ = 	snop  }
0x2e: {  	[hbm4b:s5+s2] =	stream.indirect_vreg.scatter [tilespmem:s12], [sflag:$0x1], $0x80, v3, vm0, $0xb8;
	[tilespmem:$0xC080] =	vst v63  }
0x2f: {  	v3 =	vld [tilespmem:$0x10];
	_ =	sdelay $0x4  }
0x30: {  	v61 =	vshrl.u32 v3, $0x3  }
0x31: {  	v4 =	vmul.u32 $0x30, v61  }
0x32: {  	v3 =	vand.u32 $0x7, v3  }
0x33: {  	v3 =	vor.u32 v3, v4  }
0x34: {  	v4 =	vperm.xlane v3, v0;
	_ =	sdelay $0x1  }
0x35: {  	v4 =	vadd.s32 v1, v4;
	_ =	sdelay $0x3  }
0x36: {  	v3 =	vperm.xlane v3, v2  }
0x37: {  	[hbm4b:s3+s2] =	stream.indirect_vreg.scatter [tilespmem:s13], [sflag:$0x1], $0x80, v4, vm0, $0xb8;
	[tilespmem:$0xC080] =	vst v63  }
0x38: {  	v3 =	vadd.s32 v1, v3  }
0x39: {  	[hbm4b:s4+s2] =	stream.indirect_vreg.scatter [tilespmem:s14], [sflag:$0x1], $0x80, v4, vm0, $0xb8;
	[tilespmem:$0xC080] =	vst v63  }
0x3a: {  	_ = 	snop  }
0x3b: {  	[hbm4b:s5+s2] =	stream.indirect_vreg.scatter [tilespmem:s15], [sflag:$0x1], $0x80, v4, vm0, $0xb8;
	[tilespmem:$0xC080] =	vst v63  }
0x3c: {  	_ = 	snop  }
0x3d: {  	[hbm4b:s3+s2] =	stream.indirect_vreg.scatter [tilespmem:s16], [sflag:$0x1], $0x80, v3, vm0, $0xb8;
	[tilespmem:$0xC080] =	vst v63  }
0x3e: {  	_ = 	snop  }
0x3f: {  	[hbm4b:s4+s2] =	stream.indirect_vreg.scatter [tilespmem:s17], [sflag:$0x1], $0x80, v3, vm0, $0xb8;
	[tilespmem:$0xC080] =	vst v63  }
0x40: {  	_ = 	snop  }
0x41: {  	[hbm4b:s5+s2] =	stream.indirect_vreg.scatter [tilespmem:s18], [sflag:$0x1], $0x80, v3, vm0, $0xb8;
	[tilespmem:$0xC080] =	vst v63  }
0x42: {  	v3 =	vld [tilespmem:$0x20];
	_ =	sdelay $0x4  }
0x43: {  	v62 =	vshrl.u32 v3, $0x3  }
0x44: {  	v4 =	vmul.u32 $0x30, v62  }
0x45: {  	v3 =	vand.u32 $0x7, v3  }
0x46: {  	v3 =	vor.u32 v3, v4  }
0x47: {  	v4 =	vperm.xlane v3, v0;
	_ =	sdelay $0x1  }
0x48: {  	v4 =	vadd.s32 v1, v4;
	_ =	sdelay $0x3  }
0x49: {  	v3 =	vperm.xlane v3, v2  }
0x4a: {  	[hbm4b:s3+s2] =	stream.indirect_vreg.scatter [tilespmem:s19], [sflag:$0x1], $0x80, v4, vm0, $0xb8;
	[tilespmem:$0xC080] =	vst v63  }
0x4b: {  	v3 =	vadd.s32 v1, v3  }
0x4c: {  	[hbm4b:s4+s2] =	stream.indirect_vreg.scatter [tilespmem:s20], [sflag:$0x1], $0x80, v4, vm0, $0xb8;
	[tilespmem:$0xC080] =	vst v63  }
0x4d: {  	_ = 	snop  }
0x4e: {  	[hbm4b:s5+s2] =	stream.indirect_vreg.scatter [tilespmem:s21], [sflag:$0x1], $0x80, v4, vm0, $0xb8;
	[tilespmem:$0xC080] =	vst v63  }
0x4f: {  	_ = 	snop  }
0x50: {  	[hbm4b:s3+s2] =	stream.indirect_vreg.scatter [tilespmem:s22], [sflag:$0x1], $0x80, v3, vm0, $0xb8;
	[tilespmem:$0xC080] =	vst v63  }
0x51: {  	_ = 	snop  }
0x52: {  	[hbm4b:s4+s2] =	stream.indirect_vreg.scatter [tilespmem:s23], [sflag:$0x1], $0x80, v3, vm0, $0xb8;
	[tilespmem:$0xC080] =	vst v63  }
0x53: {  	_ = 	snop  }
0x54: {  	[hbm4b:s5+s2] =	stream.indirect_vreg.scatter [tilespmem:s24], [sflag:$0x1], $0x80, v3, vm0, $0xb8;
	[tilespmem:$0xC080] =	vst v63  }
0x55: {  	v3 =	vld [tilespmem:$0x30];
	_ =	sdelay $0x4  }
0x56: {  	v63 =	vshrl.u32 v3, $0x3  }
0x57: {  	v4 =	vmul.u32 $0x30, v63  }
0x58: {  	v3 =	vand.u32 $0x7, v3  }
0x59: {  	v3 =	vor.u32 v3, v4  }
0x5a: {  	v4 =	vperm.xlane v3, v0;
	_ =	sdelay $0x1  }
0x5b: {  	v4 =	vadd.s32 v1, v4;
	_ =	sdelay $0x3  }
0x5c: {  	v3 =	vperm.xlane v3, v2  }
0x5d: {  	[hbm4b:s3+s2] =	stream.indirect_vreg.scatter [tilespmem:s25], [sflag:$0x1], $0x80, v4, vm0, $0xb8;
	[tilespmem:$0xC080] =	vst v63  }
0x5e: {  	v3 =	vadd.s32 v1, v3  }
0x5f: {  	[hbm4b:s4+s2] =	stream.indirect_vreg.scatter [tilespmem:s26], [sflag:$0x1], $0x80, v4, vm0, $0xb8;
	[tilespmem:$0xC080] =	vst v63  }
0x60: {  	_ = 	snop  }
0x61: {  	[hbm4b:s5+s2] =	stream.indirect_vreg.scatter [tilespmem:s28], [sflag:$0x1], $0x80, v4, vm0, $0xb8;
	[tilespmem:$0xC080] =	vst v63  }
0x62: {  	_ = 	snop  }
0x63: {  	[hbm4b:s3+s2] =	stream.indirect_vreg.scatter [tilespmem:s29], [sflag:$0x1], $0x80, v3, vm0, $0xb8;
	[tilespmem:$0xC080] =	vst v63  }
0x64: {  	p0 =	sne.s32 s6, $0x1  }
0x65: {  	[hbm4b:s4+s2] =	stream.indirect_vreg.scatter [tilespmem:s30], [sflag:$0x1], $0x80, v3, vm0, $0xb8;
	[tilespmem:$0xC080] =	vst v63  }
.Ltmp0:
0x66: {  	_ = 	snop;
	(pc) =	sbr.rel @p0 .LBB2_1-.Ltmp0, $4  }
0x67: {  	[hbm4b:s5+s2] =	stream.indirect_vreg.scatter [tilespmem:s31], [sflag:$0x1], $0x80, v3, vm0, $0xb8;
	[tilespmem:$0xC080] =	vst v63  }
0x68: {  	_ =	swait.ge [sflag:s1], $0xC000  }
0x69: {  	[sflag:s1] =	ssyncset.done $0x0  }
0x6a: {  	s6 =	sadd.s32 $0xFFFFFFFF, s6;
	[sflag:s1] =	ssyncadd.s32 $0xFFFF4000  }
0x6b: {  	_ =	sfence.sel $0x180000  }
0x6c: {  	[bflag:$0x0] =	sbarrier.arrive $0xFFFF  }
0x6d: {  	_ =	strace $0x90000047  }
0x6e: {  	s0 =	stileid.u32;
	[bflag:$0x2] =	sbarrier.arrive $0xFFFF  }
0x6f: {  	p0 =	sne.s32 s0, $0x0;
	s0 =	rddreg [dreg:$0x2]  }
0x70: {  	s0 =	sadd.s32 @!p0 $0x100000, s0  }
0x71: {  	[sflag:s0] =	ssyncadd.tile.s32 @!p0 $0x1;
	_ =	shalt  }
.Lfunc_end2:
_tile_overlayer_lowered:
.L_overlay_start_2:
0x72: {  	(tag) =	ssettag $0x2  }
0x73: {  	s0 =	rddreg [dreg:$0x0];
	s2 =	stileid.u32  }
0x74: {  	s1 =	rddreg [dreg:$0x1];
	p0 =	sne.s32 s2, $0x0  }
0x75: {  	s3 =	rddreg [dreg:$0x2];
	[bflag:$0x3] =	sbarrier.arrive $0xFFFF;
	s2 =	simm.s32 @!p0 $0x1C02  }
0x76: {  	[timem:s3], [sflag:s2] =	dma.local @!p0 [hbm:s0], s1  }
0x77: {  	s0 =	simm.s32 @!p0 $0x2  }
0x78: {  	_ =	swait.ge @!p0 [sflag:s0], s1  }
0x79: {  	s1 =	ssub.s32 @!p0 $0x0, s1;
	[sflag:s0] =	ssyncset.done @!p0 $0x0  }
0x7a: {  	[sflag:s0] =	ssyncadd.s32 @!p0 s1  }
0x7b: {  	[bflag:$0x3] =	sbarrier.arrive $0xFFFF  }
0x7c: {  	_ =	shalt  }

</sc_bundles>
